<compile_context>
chip_gen: v7x
topology: tpu7x:2x2x1
jax: 0.10.2.dev20260603
libtpu: 0.0.44.dev20260713+nightly
codegen_flags: <defaults>
</compile_context>

<pallas_src>
import functools

import jax
import jax.numpy as jnp
from jax.experimental import pallas as pl
from jax.experimental.pallas import tpu as pltpu

MARGIN_ = 1.0


def _triplet_block(e_blk_ref, e_full_ref, t_ref, o_ref, loss_ref, cnt_ref,
                   acc_ref, efa_ref, sqf_ref, lvec_ref, cvec_ref, avec_ref,
                   *, blk: int, batch: int, cblk: int, dim: int):
    i = pl.program_id(0)

    @pl.when(i == 0)
    def _prep():
        ef = e_full_ref[...]
        efa_ref[...] = -2.0 * ef
        sqf_ref[...] = jnp.sum(ef * ef, axis=1).reshape(1, batch)

    eb = e_blk_ref[...]
    sq_b = jnp.sum(eb * eb, axis=1)

    gram2 = jax.lax.dot_general(
        eb, efa_ref[...], (((1,), (1,)), ((), ())),
        preferred_element_type=jnp.float32)
    sp = sqf_ref[...] + gram2

    t_full = t_ref[0, :]
    t_blk = t_ref[0, pl.ds(i * blk, blk)]
    same = t_blk[:, None] == t_full[None, :]

    neg_sp = jnp.where(same, jnp.inf, sp)
    min_sp = jnp.maximum(jnp.min(neg_sp, axis=1), -sq_b)

    min_d = jnp.sqrt(jnp.maximum(min_sp + sq_b, 0.0))
    thr = (jnp.where(min_d >= MARGIN_,
                     (min_d - MARGIN_) ** 2,
                     -1.0) - sq_b)[:, None]
    ushift = (MARGIN_ - min_sp)[:, None]
    minsp_col = min_sp[:, None]

    @pl.when(i == 0)
    def _init():
        lvec_ref[...] = jnp.zeros((1, cblk), jnp.float32)
        cvec_ref[...] = jnp.zeros((1, cblk), jnp.float32)
        avec_ref[...] = jnp.zeros((1, cblk), jnp.float32)

    lab_min = jnp.min(t_blk)
    lab_max = jnp.max(t_blk)
    lo = jnp.sum((t_full < lab_min).astype(jnp.int32))
    hi = jnp.sum((t_full <= lab_max).astype(jnp.int32))

    orig_full = o_ref[0, :]
    orig_rows = o_ref[0, pl.ds(i * blk, blk)][:, None]
    ones_row = jnp.ones((1, blk), jnp.float32)

    def chunk_sums(c):
        sl = slice(c * cblk, (c + 1) * cblk)
        spc = sp[:, sl]
        tri = (same[:, sl] & (spc > thr)
               & (orig_rows < orig_full[None, sl]))
        trif = tri.astype(jnp.float32)
        lossm = trif * jnp.maximum(spc + ushift, 0.0)
        accm = jnp.where(spc < minsp_col, trif, 0.0)
        dot = lambda x: jax.lax.dot_general(
            ones_row, x, (((1,), (0,)), ((), ())),
            preferred_element_type=jnp.float32)
        lvec_ref[...] += dot(lossm)
        cvec_ref[...] += dot(trif)
        avec_ref[...] += dot(accm)

    for c in range(batch // cblk):
        @pl.when(((c + 1) * cblk > lo) & (c * cblk < hi))
        def _band(c=c):
            chunk_sums(c)

    @pl.when(i == pl.num_programs(0) - 1)
    def _finish():
        loss_ref[...] = jnp.sum(lvec_ref[...]).reshape(1, 1)
        cnt_ref[...] = jnp.sum(cvec_ref[...]).reshape(1, 1)
        acc_ref[...] = jnp.sum(avec_ref[...]).reshape(1, 1)


@jax.jit
def kernel(embeddings, targets):
    batch, dim = embeddings.shape
    blk = 512
    cblk = 256
    t32 = targets.astype(jnp.int32)
    order = jnp.argsort(t32)
    ts = t32[order].reshape(1, batch)
    es = embeddings[order]
    orig = order.astype(jnp.int32).reshape(1, batch)

    loss_sum, cnt, acc_sum = pl.pallas_call(
        functools.partial(_triplet_block, blk=blk, batch=batch, cblk=cblk,
                          dim=dim),
        grid=(batch // blk,),
        in_specs=[
            pl.BlockSpec((blk, dim), lambda i: (i, 0)),
            pl.BlockSpec((batch, dim), lambda i: (0, 0)),
            pl.BlockSpec((1, batch), lambda i: (0, 0)),
            pl.BlockSpec((1, batch), lambda i: (0, 0)),
        ],
        out_specs=[
            pl.BlockSpec((1, 1), lambda i: (0, 0)),
            pl.BlockSpec((1, 1), lambda i: (0, 0)),
            pl.BlockSpec((1, 1), lambda i: (0, 0)),
        ],
        out_shape=[
            jax.ShapeDtypeStruct((1, 1), jnp.float32),
            jax.ShapeDtypeStruct((1, 1), jnp.float32),
            jax.ShapeDtypeStruct((1, 1), jnp.float32),
        ],
        scratch_shapes=[
            pltpu.VMEM((batch, dim), jnp.float32),
            pltpu.VMEM((1, batch), jnp.float32),
            pltpu.VMEM((1, cblk), jnp.float32),
            pltpu.VMEM((1, cblk), jnp.float32),
            pltpu.VMEM((1, cblk), jnp.float32),
        ],
    )(es, es, ts, orig)

    loss = loss_sum[0, 0] / cnt[0, 0]
    accuracy = acc_sum[0, 0] / cnt[0, 0]
    return (loss, accuracy)

# --- scband reference (transcript-rebuilt; emitter-appended) ---
"""Pipeline reference for scband-online-triplet-loss-33827162423929 (READ-ONLY COPY).

The authoritative reference and input builder live on the scoring server;
editing this copy changes nothing except your own understanding.
"""

import jax, jax.numpy as jnp
import numpy as np

MARGIN = 1.0


def setup_inputs(seed: int = 0):
    key = jax.random.key(seed)
    k1, k2 = jax.random.split(key)
    embeddings = jax.random.normal(k1, (4096, 128), dtype=jnp.float32)
    targets = jax.random.randint(k2, (4096,), 0, 100, dtype=jnp.int64)
    return {"embeddings": embeddings, "targets": targets}


def _compute(embeddings, targets, margin=MARGIN):
    B = embeddings.shape[0]
    # squared pairwise distances via gram trick (matches (a-b)^2 sum)
    sq_norms = jnp.sum(embeddings * embeddings, axis=1)
    S = sq_norms[:, None] + sq_norms[None, :] - 2.0 * (embeddings @ embeddings.T)
    S = jnp.maximum(S, 0.0)
    # euclidean distance matrix used only for triplet selection (torch.cdist p=2)
    D = jnp.sqrt(jnp.maximum(jax.lax.stop_gradient(S), 0.0))
    same = targets[:, None] == targets[None, :]
    iu = jnp.triu(jnp.ones((B, B), dtype=bool), k=1)
    # anchor-positive pairs: i<j with same label (torch.combinations order)
    pair_mask = same & iu
    # negatives relative to anchor i's label
    neg_mask = ~same
    neg_d = jnp.where(neg_mask, D, jnp.inf)
    # argmax of (ap - neg_dist + margin) over negatives == argmin of neg_dist
    hard_neg = jnp.argmin(neg_d, axis=1)          # [B] hardest negative per anchor
    min_neg = jnp.min(neg_d, axis=1)              # [B]
    # triplet kept iff selection loss_value > 0: D[i,j] - min_neg[i] + margin > 0
    cond = (D - min_neg[:, None] + margin) > 0.0
    tri_mask = pair_mask & cond
    # squared distances used in the actual loss (embeddings gather + pow(2).sum)
    S_an = jnp.take_along_axis(S, hard_neg[:, None], axis=1)  # [B,1] = S[i, hard_neg[i]]
    dist_ap = S                                                # [B,B] entry (i,j)
    dist_an = S_an                                             # broadcast over j
    losses = jax.nn.relu(dist_ap - dist_an + margin)
    cnt = jnp.sum(tri_mask).astype(jnp.float32)
    loss = jnp.sum(jnp.where(tri_mask, losses, 0.0)) / cnt
    accuracy = jnp.sum(jnp.where(tri_mask, dist_ap < dist_an, False).astype(jnp.float32)) / cnt
    return loss, accuracy


def reference(embeddings, targets):
    loss, accuracy = _compute(embeddings, targets)
    return (loss, accuracy)

if __name__ == "__main__":
    import jax
    _d = setup_inputs()
    print(jax.jit(kernel)(*tuple(_d.values())))

</pallas_src>

<mosaic_0001>
module attributes {stable_mosaic.version = 14 : i64} {
  func.func @_triplet_block(%arg0: i32, %arg1: memref<512x128xf32, #tpu.memory_space<vmem>>, %arg2: memref<4096x128xf32, #tpu.memory_space<vmem>>, %arg3: memref<1x4096xi32, #tpu.memory_space<vmem>>, %arg4: memref<1x4096xi32, #tpu.memory_space<vmem>>, %arg5: memref<1x1xf32, #tpu.memory_space<vmem>>, %arg6: memref<1x1xf32, #tpu.memory_space<vmem>>, %arg7: memref<1x1xf32, #tpu.memory_space<vmem>>, %arg8: memref<4096x128xf32, #tpu.memory_space<vmem>>, %arg9: memref<1x4096xf32, #tpu.memory_space<vmem>>, %arg10: memref<1x256xf32, #tpu.memory_space<vmem>>, %arg11: memref<1x256xf32, #tpu.memory_space<vmem>>, %arg12: memref<1x256xf32, #tpu.memory_space<vmem>>) attributes {dimension_semantics = [#tpu.dimension_semantics<arbitrary>], iteration_bounds = array<i64: 8>, scalar_prefetch = 0 : i64, scratch_operands = 5 : i64, tpu.core_type = #tpu.core_type<tc>, window_params = [{transform_indices = @transform_0, window_bounds = array<i64: 512, 128>}, {pipeline_mode = #tpu.pipeline_mode<synchronous>, transform_indices = @transform_1, window_bounds = array<i64: 4096, 128>}, {pipeline_mode = #tpu.pipeline_mode<synchronous>, transform_indices = @transform_2, window_bounds = array<i64: 1, 4096>}, {pipeline_mode = #tpu.pipeline_mode<synchronous>, transform_indices = @transform_3, window_bounds = array<i64: 1, 4096>}, {pipeline_mode = #tpu.pipeline_mode<synchronous>, transform_indices = @transform_4, window_bounds = array<i64: 1, 1>}, {pipeline_mode = #tpu.pipeline_mode<synchronous>, transform_indices = @transform_5, window_bounds = array<i64: 1, 1>}, {pipeline_mode = #tpu.pipeline_mode<synchronous>, transform_indices = @transform_6, window_bounds = array<i64: 1, 1>}]} {
    %eq3A = arith.constant 0 : i32
    %eq3A_0 = arith.cmpi eq, %arg0, %eq3A : i32
    %convert_element_type3A = arith.extui %eq3A_0 : i1 to i32
    %cond3A = arith.constant 0 : i32
    %cond3A_1 = arith.cmpi ne, %convert_element_type3A, %cond3A : i32
    scf.if %cond3A_1 {
      %get3A_221 = arith.constant 0 : index
      %get3A_222 = arith.constant 0 : index
      %get3A_223 = vector.load %arg2[%get3A_221, %get3A_222] : memref<4096x128xf32, #tpu.memory_space<vmem>>, vector<4096x128xf32>
      %mul3A_224 = arith.constant -2.000000e+00 : f32
      %mul3A_225 = vector.broadcast %mul3A_224 : f32 to vector<4096x128xf32>
      %mul3A_226 = arith.mulf %mul3A_225, %get3A_223 : vector<4096x128xf32>
      %swap3A = arith.constant 0 : index
      %swap3A_227 = arith.constant 0 : index
      %swap3A_228 = vector.load %arg8[%swap3A, %swap3A_227] : memref<4096x128xf32, #tpu.memory_space<vmem>>, vector<4096x128xf32>
      tpu.vector_store %arg8[%swap3A, %swap3A_227], %mul3A_226 {strides = array<i32>} : memref<4096x128xf32, #tpu.memory_space<vmem>>, vector<4096x128xf32>,
      %mul3A_229 = arith.mulf %get3A_223, %get3A_223 : vector<4096x128xf32>
      %reduce_sum3A_230 = arith.constant dense<0.000000e+00> : vector<4096xf32>
      %reduce_sum3A_231 = vector.multi_reduction <add>, %mul3A_229, %reduce_sum3A_230 [1] : vector<4096x128xf32> to vector<4096xf32>
      %reshape3A = vector.shape_cast %reduce_sum3A_231 : vector<4096xf32> to vector<1x4096xf32>
      %swap3A_232 = arith.constant 0 : index
      %swap3A_233 = arith.constant 0 : index
      %swap3A_234 = vector.load %arg9[%swap3A_232, %swap3A_233] : memref<1x4096xf32, #tpu.memory_space<vmem>>, vector<1x4096xf32>
      tpu.vector_store %arg9[%swap3A_232, %swap3A_233], %reshape3A {strides = array<i32>} : memref<1x4096xf32, #tpu.memory_space<vmem>>, vector<1x4096xf32>,
    } else {
    }
    %get3A = arith.constant 0 : index
    %get3A_2 = arith.constant 0 : index
    %get3A_3 = vector.load %arg1[%get3A, %get3A_2] : memref<512x128xf32, #tpu.memory_space<vmem>>, vector<512x128xf32>
    %mul3A = arith.mulf %get3A_3, %get3A_3 : vector<512x128xf32>
    %reduce_sum3A = arith.constant dense<0.000000e+00> : vector<512xf32>
    %reduce_sum3A_4 = vector.multi_reduction <add>, %mul3A, %reduce_sum3A [1] : vector<512x128xf32> to vector<512xf32>
    %get3A_5 = arith.constant 0 : index
    %get3A_6 = arith.constant 0 : index
    %get3A_7 = vector.load %arg8[%get3A_5, %get3A_6] : memref<4096x128xf32, #tpu.memory_space<vmem>>, vector<4096x128xf32>
    %dot_general3A = arith.constant dense<0.000000e+00> : vector<512x4096xf32>
    %dot_general3A_8 = tpu.matmul %get3A_3, %get3A_7, %dot_general3A {dimension_numbers = #tpu.dot_dimension_numbers<[1], [1], [0], [0], [0, 0, 1, 0], [], []>, transpose_lhs_hint = false} : vector<512x128xf32>, vector<4096x128xf32>, vector<512x4096xf32> -> vector<512x4096xf32>
    %get3A_9 = arith.constant 0 : index
    %get3A_10 = arith.constant 0 : index
    %get3A_11 = vector.load %arg9[%get3A_9, %get3A_10] : memref<1x4096xf32, #tpu.memory_space<vmem>>, vector<1x4096xf32>
    %add3A = vector.broadcast %get3A_11 : vector<1x4096xf32> to vector<512x4096xf32>
    %add3A_12 = arith.addf %add3A, %dot_general3A_8 : vector<512x4096xf32>
    %get3A_13 = arith.constant 0 : index
    %get3A_14 = arith.constant 0 : index
    %get3A_15 = vector.load %arg3[%get3A_13, %get3A_14] : memref<1x4096xi32, #tpu.memory_space<vmem>>, vector<1x4096xi32>
    %get3A_16 = vector.shape_cast %get3A_15 : vector<1x4096xi32> to vector<4096xi32>
    %mul3A_17 = arith.constant 512 : i32
    %mul3A_18 = arith.muli %arg0, %mul3A_17 : i32
    %get3A_19 = arith.constant 0 : index
    %get3A_20 = arith.index_cast %mul3A_18 : i32 to index
    %get3A_21 = vector.load %arg3[%get3A_19, %get3A_20] : memref<1x4096xi32, #tpu.memory_space<vmem>>, vector<1x512xi32>
    %get3A_22 = vector.shape_cast %get3A_21 : vector<1x512xi32> to vector<512xi32>
    %broadcast_in_dim3A = vector.shape_cast %get3A_22 : vector<512xi32> to vector<512x1xi32>
    %broadcast_in_dim3A_23 = vector.shape_cast %get3A_16 : vector<4096xi32> to vector<1x4096xi32>
    %eq3A_24 = vector.broadcast %broadcast_in_dim3A : vector<512x1xi32> to vector<512x4096xi32>
    %eq3A_25 = vector.broadcast %broadcast_in_dim3A_23 : vector<1x4096xi32> to vector<512x4096xi32>
    %eq3A_26 = arith.cmpi eq, %eq3A_24, %eq3A_25 : vector<512x4096xi32>
    %jit3A = arith.constant 0x7F800000 : f32
    %broadcast_in_dim3A_27 = vector.broadcast %jit3A : f32 to vector<512x4096xf32>
    %select_n3A = arith.select %eq3A_26, %broadcast_in_dim3A_27, %add3A_12 : vector<512x4096xi1>, vector<512x4096xf32>
    %reduce_min3A = arith.constant dense<0x7F800000> : vector<512xf32>
    %reduce_min3A_28 = vector.multi_reduction <minimumf>, %select_n3A, %reduce_min3A [1] : vector<512x4096xf32> to vector<512xf32>
    %neg3A = arith.constant 0.000000e+00 : f32
    %neg3A_29 = vector.broadcast %neg3A : f32 to vector<512xf32>
    %neg3A_30 = arith.subf %neg3A_29, %reduce_sum3A_4 : vector<512xf32>
    %max3A = arith.maximumf %reduce_min3A_28, %neg3A_30 : vector<512xf32>
    %add3A_31 = arith.addf %max3A, %reduce_sum3A_4 : vector<512xf32>
    %max3A_32 = arith.constant 0.000000e+00 : f32
    %max3A_33 = vector.broadcast %max3A_32 : f32 to vector<512xf32>
    %max3A_34 = arith.maximumf %add3A_31, %max3A_33 : vector<512xf32>
    %sqrt3A = math.sqrt %max3A_34 : vector<512xf32>
    %ge3A = arith.constant 1.000000e+00 : f32
    %ge3A_35 = vector.broadcast %ge3A : f32 to vector<512xf32>
    %ge3A_36 = arith.cmpf oge, %sqrt3A, %ge3A_35 : vector<512xf32>
    %sub3A = arith.constant 1.000000e+00 : f32
    %sub3A_37 = vector.broadcast %sub3A : f32 to vector<512xf32>
    %sub3A_38 = arith.subf %sqrt3A, %sub3A_37 : vector<512xf32>
    %integer_pow3A = arith.mulf %sub3A_38, %sub3A_38 : vector<512xf32>
    %jit3A_39 = arith.constant -1.000000e+00 : f32
    %broadcast_in_dim3A_40 = vector.broadcast %jit3A_39 : f32 to vector<512xf32>
    %select_n3A_41 = arith.select %ge3A_36, %integer_pow3A, %broadcast_in_dim3A_40 : vector<512xi1>, vector<512xf32>
    %sub3A_42 = arith.subf %select_n3A_41, %reduce_sum3A_4 : vector<512xf32>
    %broadcast_in_dim3A_43 = vector.shape_cast %sub3A_42 : vector<512xf32> to vector<512x1xf32>
    %sub3A_44 = arith.constant 1.000000e+00 : f32
    %sub3A_45 = vector.broadcast %sub3A_44 : f32 to vector<512xf32>
    %sub3A_46 = arith.subf %sub3A_45, %max3A : vector<512xf32>
    %broadcast_in_dim3A_47 = vector.shape_cast %sub3A_46 : vector<512xf32> to vector<512x1xf32>
    %broadcast_in_dim3A_48 = vector.shape_cast %max3A : vector<512xf32> to vector<512x1xf32>
    %eq3A_49 = arith.constant 0 : i32
    %eq3A_50 = arith.cmpi eq, %arg0, %eq3A_49 : i32
    %convert_element_type3A_51 = arith.extui %eq3A_50 : i1 to i32
    %cond3A_52 = arith.constant 0 : i32
    %cond3A_53 = arith.cmpi ne, %convert_element_type3A_51, %cond3A_52 : i32
    scf.if %cond3A_53 {
      %broadcast_in_dim3A_221 = arith.constant 0.000000e+00 : f32
      %broadcast_in_dim3A_222 = vector.broadcast %broadcast_in_dim3A_221 : f32 to vector<1x256xf32>
      %swap3A = arith.constant 0 : index
      %swap3A_223 = arith.constant 0 : index
      %swap3A_224 = vector.load %arg10[%swap3A, %swap3A_223] : memref<1x256xf32, #tpu.memory_space<vmem>>, vector<1x256xf32>
      tpu.vector_store %arg10[%swap3A, %swap3A_223], %broadcast_in_dim3A_222 {strides = array<i32>} : memref<1x256xf32, #tpu.memory_space<vmem>>, vector<1x256xf32>,
      %broadcast_in_dim3A_225 = arith.constant 0.000000e+00 : f32
      %broadcast_in_dim3A_226 = vector.broadcast %broadcast_in_dim3A_225 : f32 to vector<1x256xf32>
      %swap3A_227 = arith.constant 0 : index
      %swap3A_228 = arith.constant 0 : index
      %swap3A_229 = vector.load %arg11[%swap3A_227, %swap3A_228] : memref<1x256xf32, #tpu.memory_space<vmem>>, vector<1x256xf32>
      tpu.vector_store %arg11[%swap3A_227, %swap3A_228], %broadcast_in_dim3A_226 {strides = array<i32>} : memref<1x256xf32, #tpu.memory_space<vmem>>, vector<1x256xf32>,
      %broadcast_in_dim3A_230 = arith.constant 0.000000e+00 : f32
      %broadcast_in_dim3A_231 = vector.broadcast %broadcast_in_dim3A_230 : f32 to vector<1x256xf32>
      %swap3A_232 = arith.constant 0 : index
      %swap3A_233 = arith.constant 0 : index
      %swap3A_234 = vector.load %arg12[%swap3A_232, %swap3A_233] : memref<1x256xf32, #tpu.memory_space<vmem>>, vector<1x256xf32>
      tpu.vector_store %arg12[%swap3A_232, %swap3A_233], %broadcast_in_dim3A_231 {strides = array<i32>} : memref<1x256xf32, #tpu.memory_space<vmem>>, vector<1x256xf32>,
    } else {
    }
    %reduce_min3A_54 = vector.shape_cast %get3A_22 : vector<512xi32> to vector<1x512xi32>
    %reduce_min3A_55 = arith.constant dense<2147483647> : vector<1xi32>
    %reduce_min3A_56 = vector.multi_reduction <minsi>, %reduce_min3A_54, %reduce_min3A_55 [1] : vector<1x512xi32> to vector<1xi32>
    %reduce_min3A_57 = vector.shape_cast %reduce_min3A_56 : vector<1xi32> to vector<1x1xi32>
    %reduce_min3A_58 = vector.extract %reduce_min3A_57[0, 0] : i32 from vector<1x1xi32>
    %reduce_max3A = vector.shape_cast %get3A_22 : vector<512xi32> to vector<1x512xi32>
    %reduce_max3A_59 = arith.constant dense<-2147483648> : vector<1xi32>
    %reduce_max3A_60 = vector.multi_reduction <maxsi>, %reduce_max3A, %reduce_max3A_59 [1] : vector<1x512xi32> to vector<1xi32>
    %reduce_max3A_61 = vector.shape_cast %reduce_max3A_60 : vector<1xi32> to vector<1x1xi32>
    %reduce_max3A_62 = vector.extract %reduce_max3A_61[0, 0] : i32 from vector<1x1xi32>
    %lt3A = vector.broadcast %reduce_min3A_58 : i32 to vector<4096xi32>
    %lt3A_63 = arith.cmpi slt, %get3A_16, %lt3A : vector<4096xi32>
    %convert_element_type3A_64 = arith.extui %lt3A_63 : vector<4096xi1> to vector<4096xi32>
    %reduce_sum3A_65 = vector.shape_cast %convert_element_type3A_64 : vector<4096xi32> to vector<1x4096xi32>
    %reduce_sum3A_66 = arith.constant dense<0> : vector<1xi32>
    %reduce_sum3A_67 = vector.multi_reduction <add>, %reduce_sum3A_65, %reduce_sum3A_66 [1] : vector<1x4096xi32> to vector<1xi32>
    %reduce_sum3A_68 = vector.shape_cast %reduce_sum3A_67 : vector<1xi32> to vector<1x1xi32>
    %reduce_sum3A_69 = vector.extract %reduce_sum3A_68[0, 0] : i32 from vector<1x1xi32>
    %le3A = vector.broadcast %reduce_max3A_62 : i32 to vector<4096xi32>
    %le3A_70 = arith.cmpi sle, %get3A_16, %le3A : vector<4096xi32>
    %convert_element_type3A_71 = arith.extui %le3A_70 : vector<4096xi1> to vector<4096xi32>
    %reduce_sum3A_72 = vector.shape_cast %convert_element_type3A_71 : vector<4096xi32> to vector<1x4096xi32>
    %reduce_sum3A_73 = arith.constant dense<0> : vector<1xi32>
    %reduce_sum3A_74 = vector.multi_reduction <add>, %reduce_sum3A_72, %reduce_sum3A_73 [1] : vector<1x4096xi32> to vector<1xi32>
    %reduce_sum3A_75 = vector.shape_cast %reduce_sum3A_74 : vector<1xi32> to vector<1x1xi32>
    %reduce_sum3A_76 = vector.extract %reduce_sum3A_75[0, 0] : i32 from vector<1x1xi32>
    %get3A_77 = arith.constant 0 : index
    %get3A_78 = arith.constant 0 : index
    %get3A_79 = vector.load %arg4[%get3A_77, %get3A_78] : memref<1x4096xi32, #tpu.memory_space<vmem>>, vector<1x4096xi32>
    %get3A_80 = vector.shape_cast %get3A_79 : vector<1x4096xi32> to vector<4096xi32>
    %mul3A_81 = arith.constant 512 : i32
    %mul3A_82 = arith.muli %arg0, %mul3A_81 : i32
    %get3A_83 = arith.constant 0 : index
    %get3A_84 = arith.index_cast %mul3A_82 : i32 to index
    %get3A_85 = vector.load %arg4[%get3A_83, %get3A_84] : memref<1x4096xi32, #tpu.memory_space<vmem>>, vector<1x512xi32>
    %get3A_86 = vector.shape_cast %get3A_85 : vector<1x512xi32> to vector<512xi32>
    %broadcast_in_dim3A_87 = vector.shape_cast %get3A_86 : vector<512xi32> to vector<512x1xi32>
    %broadcast_in_dim3A_88 = arith.constant 1.000000e+00 : f32
    %broadcast_in_dim3A_89 = vector.broadcast %broadcast_in_dim3A_88 : f32 to vector<1x512xf32>
    %lt3A_90 = arith.constant 256 : i32
    %lt3A_91 = arith.cmpi slt, %reduce_sum3A_69, %lt3A_90 : i32
    %gt3A = arith.constant 0 : i32
    %gt3A_92 = arith.cmpi sgt, %reduce_sum3A_76, %gt3A : i32
    %and3A = arith.andi %lt3A_91, %gt3A_92 : i1
    %convert_element_type3A_93 = arith.extui %and3A : i1 to i32
    %cond3A_94 = arith.constant 0 : i32
    %cond3A_95 = arith.cmpi ne, %convert_element_type3A_93, %cond3A_94 : i32
    scf.if %cond3A_95 {
      %slice3A = vector.extract_strided_slice %add3A_12 {offsets = [0, 0], sizes = [512, 256], strides = [1, 1]} : vector<512x4096xf32> to vector<512x256xf32>
      %slice3A_221 = vector.extract_strided_slice %eq3A_26 {offsets = [0, 0], sizes = [512, 256], strides = [1, 1]} : vector<512x4096xi1> to vector<512x256xi1>
      %gt3A_222 = vector.broadcast %broadcast_in_dim3A_43 : vector<512x1xf32> to vector<512x256xf32>
      %gt3A_223 = arith.cmpf ogt, %slice3A, %gt3A_222 : vector<512x256xf32>
      %and3A_224 = arith.andi %slice3A_221, %gt3A_223 : vector<512x256xi1>
      %slice3A_225 = vector.extract_strided_slice %get3A_80 {offsets = [0], sizes = [256], strides = [1]} : vector<4096xi32> to vector<256xi32>
      %broadcast_in_dim3A_226 = vector.shape_cast %slice3A_225 : vector<256xi32> to vector<1x256xi32>
      %lt3A_227 = vector.broadcast %broadcast_in_dim3A_87 : vector<512x1xi32> to vector<512x256xi32>
      %lt3A_228 = vector.broadcast %broadcast_in_dim3A_226 : vector<1x256xi32> to vector<512x256xi32>
      %lt3A_229 = arith.cmpi slt, %lt3A_227, %lt3A_228 : vector<512x256xi32>
      %and3A_230 = arith.andi %and3A_224, %lt3A_229 : vector<512x256xi1>
      %convert_element_type3A_231 = arith.extui %and3A_230 : vector<512x256xi1> to vector<512x256xi32>
      %convert_element_type3A_232 = arith.sitofp %convert_element_type3A_231 : vector<512x256xi32> to vector<512x256xf32>
      %add3A_233 = vector.broadcast %broadcast_in_dim3A_47 : vector<512x1xf32> to vector<512x256xf32>
      %add3A_234 = arith.addf %slice3A, %add3A_233 : vector<512x256xf32>
      %max3A_235 = arith.constant 0.000000e+00 : f32
      %max3A_236 = vector.broadcast %max3A_235 : f32 to vector<512x256xf32>
      %max3A_237 = arith.maximumf %add3A_234, %max3A_236 : vector<512x256xf32>
      %mul3A_238 = arith.mulf %convert_element_type3A_232, %max3A_237 : vector<512x256xf32>
      %lt3A_239 = vector.broadcast %broadcast_in_dim3A_48 : vector<512x1xf32> to vector<512x256xf32>
      %lt3A_240 = arith.cmpf olt, %slice3A, %lt3A_239 : vector<512x256xf32>
      %jit3A_241 = arith.constant 0.000000e+00 : f32
      %broadcast_in_dim3A_242 = vector.broadcast %jit3A_241 : f32 to vector<512x256xf32>
      %select_n3A_243 = arith.select %lt3A_240, %convert_element_type3A_232, %broadcast_in_dim3A_242 : vector<512x256xi1>, vector<512x256xf32>
      %get3A_244 = arith.constant 0 : index
      %get3A_245 = arith.constant 0 : index
      %get3A_246 = vector.load %arg10[%get3A_244, %get3A_245] : memref<1x256xf32, #tpu.memory_space<vmem>>, vector<1x256xf32>
      %dot_general3A_247 = arith.constant dense<0.000000e+00> : vector<1x256xf32>
      %dot_general3A_248 = tpu.matmul %broadcast_in_dim3A_89, %mul3A_238, %dot_general3A_247 {dimension_numbers = #tpu.dot_dimension_numbers<[1], [0], [0], [1], [0, 0, 1, 1], [], []>, transpose_lhs_hint = false} : vector<1x512xf32>, vector<512x256xf32>, vector<1x256xf32> -> vector<1x256xf32>
      %add3A_249 = arith.addf %get3A_246, %dot_general3A_248 : vector<1x256xf32>
      %swap3A = arith.constant 0 : index
      %swap3A_250 = arith.constant 0 : index
      %swap3A_251 = vector.load %arg10[%swap3A, %swap3A_250] : memref<1x256xf32, #tpu.memory_space<vmem>>, vector<1x256xf32>
      tpu.vector_store %arg10[%swap3A, %swap3A_250], %add3A_249 {strides = array<i32>} : memref<1x256xf32, #tpu.memory_space<vmem>>, vector<1x256xf32>,
      %get3A_252 = arith.constant 0 : index
      %get3A_253 = arith.constant 0 : index
      %get3A_254 = vector.load %arg11[%get3A_252, %get3A_253] : memref<1x256xf32, #tpu.memory_space<vmem>>, vector<1x256xf32>
      %dot_general3A_255 = arith.constant dense<0.000000e+00> : vector<1x256xf32>
      %dot_general3A_256 = tpu.matmul %broadcast_in_dim3A_89, %convert_element_type3A_232, %dot_general3A_255 {dimension_numbers = #tpu.dot_dimension_numbers<[1], [0], [0], [1], [0, 0, 1, 1], [], []>, transpose_lhs_hint = false} : vector<1x512xf32>, vector<512x256xf32>, vector<1x256xf32> -> vector<1x256xf32>
      %add3A_257 = arith.addf %get3A_254, %dot_general3A_256 : vector<1x256xf32>
      %swap3A_258 = arith.constant 0 : index
      %swap3A_259 = arith.constant 0 : index
      %swap3A_260 = vector.load %arg11[%swap3A_258, %swap3A_259] : memref<1x256xf32, #tpu.memory_space<vmem>>, vector<1x256xf32>
      tpu.vector_store %arg11[%swap3A_258, %swap3A_259], %add3A_257 {strides = array<i32>} : memref<1x256xf32, #tpu.memory_space<vmem>>, vector<1x256xf32>,
      %get3A_261 = arith.constant 0 : index
      %get3A_262 = arith.constant 0 : index
      %get3A_263 = vector.load %arg12[%get3A_261, %get3A_262] : memref<1x256xf32, #tpu.memory_space<vmem>>, vector<1x256xf32>
      %dot_general3A_264 = arith.constant dense<0.000000e+00> : vector<1x256xf32>
      %dot_general3A_265 = tpu.matmul %broadcast_in_dim3A_89, %select_n3A_243, %dot_general3A_264 {dimension_numbers = #tpu.dot_dimension_numbers<[1], [0], [0], [1], [0, 0, 1, 1], [], []>, transpose_lhs_hint = false} : vector<1x512xf32>, vector<512x256xf32>, vector<1x256xf32> -> vector<1x256xf32>
      %add3A_266 = arith.addf %get3A_263, %dot_general3A_265 : vector<1x256xf32>
      %swap3A_267 = arith.constant 0 : index
      %swap3A_268 = arith.constant 0 : index
      %swap3A_269 = vector.load %arg12[%swap3A_267, %swap3A_268] : memref<1x256xf32, #tpu.memory_space<vmem>>, vector<1x256xf32>
      tpu.vector_store %arg12[%swap3A_267, %swap3A_268], %add3A_266 {strides = array<i32>} : memref<1x256xf32, #tpu.memory_space<vmem>>, vector<1x256xf32>,
    } else {
    }
    %lt3A_96 = arith.constant 512 : i32
    %lt3A_97 = arith.cmpi slt, %reduce_sum3A_69, %lt3A_96 : i32
    %gt3A_98 = arith.constant 256 : i32
    %gt3A_99 = arith.cmpi sgt, %reduce_sum3A_76, %gt3A_98 : i32
    %and3A_100 = arith.andi %lt3A_97, %gt3A_99 : i1
    %convert_element_type3A_101 = arith.extui %and3A_100 : i1 to i32
    %cond3A_102 = arith.constant 0 : i32
    %cond3A_103 = arith.cmpi ne, %convert_element_type3A_101, %cond3A_102 : i32
    scf.if %cond3A_103 {
      %slice3A = vector.extract_strided_slice %add3A_12 {offsets = [0, 256], sizes = [512, 256], strides = [1, 1]} : vector<512x4096xf32> to vector<512x256xf32>
      %slice3A_221 = vector.extract_strided_slice %eq3A_26 {offsets = [0, 256], sizes = [512, 256], strides = [1, 1]} : vector<512x4096xi1> to vector<512x256xi1>
      %gt3A_222 = vector.broadcast %broadcast_in_dim3A_43 : vector<512x1xf32> to vector<512x256xf32>
      %gt3A_223 = arith.cmpf ogt, %slice3A, %gt3A_222 : vector<512x256xf32>
      %and3A_224 = arith.andi %slice3A_221, %gt3A_223 : vector<512x256xi1>
      %slice3A_225 = vector.extract_strided_slice %get3A_80 {offsets = [256], sizes = [256], strides = [1]} : vector<4096xi32> to vector<256xi32>
      %broadcast_in_dim3A_226 = vector.shape_cast %slice3A_225 : vector<256xi32> to vector<1x256xi32>
      %lt3A_227 = vector.broadcast %broadcast_in_dim3A_87 : vector<512x1xi32> to vector<512x256xi32>
      %lt3A_228 = vector.broadcast %broadcast_in_dim3A_226 : vector<1x256xi32> to vector<512x256xi32>
      %lt3A_229 = arith.cmpi slt, %lt3A_227, %lt3A_228 : vector<512x256xi32>
      %and3A_230 = arith.andi %and3A_224, %lt3A_229 : vector<512x256xi1>
      %convert_element_type3A_231 = arith.extui %and3A_230 : vector<512x256xi1> to vector<512x256xi32>
      %convert_element_type3A_232 = arith.sitofp %convert_element_type3A_231 : vector<512x256xi32> to vector<512x256xf32>
      %add3A_233 = vector.broadcast %broadcast_in_dim3A_47 : vector<512x1xf32> to vector<512x256xf32>
      %add3A_234 = arith.addf %slice3A, %add3A_233 : vector<512x256xf32>
      %max3A_235 = arith.constant 0.000000e+00 : f32
      %max3A_236 = vector.broadcast %max3A_235 : f32 to vector<512x256xf32>
      %max3A_237 = arith.maximumf %add3A_234, %max3A_236 : vector<512x256xf32>
      %mul3A_238 = arith.mulf %convert_element_type3A_232, %max3A_237 : vector<512x256xf32>
      %lt3A_239 = vector.broadcast %broadcast_in_dim3A_48 : vector<512x1xf32> to vector<512x256xf32>
      %lt3A_240 = arith.cmpf olt, %slice3A, %lt3A_239 : vector<512x256xf32>
      %jit3A_241 = arith.constant 0.000000e+00 : f32
      %broadcast_in_dim3A_242 = vector.broadcast %jit3A_241 : f32 to vector<512x256xf32>
      %select_n3A_243 = arith.select %lt3A_240, %convert_element_type3A_232, %broadcast_in_dim3A_242 : vector<512x256xi1>, vector<512x256xf32>
      %get3A_244 = arith.constant 0 : index
      %get3A_245 = arith.constant 0 : index
      %get3A_246 = vector.load %arg10[%get3A_244, %get3A_245] : memref<1x256xf32, #tpu.memory_space<vmem>>, vector<1x256xf32>
      %dot_general3A_247 = arith.constant dense<0.000000e+00> : vector<1x256xf32>
      %dot_general3A_248 = tpu.matmul %broadcast_in_dim3A_89, %mul3A_238, %dot_general3A_247 {dimension_numbers = #tpu.dot_dimension_numbers<[1], [0], [0], [1], [0, 0, 1, 1], [], []>, transpose_lhs_hint = false} : vector<1x512xf32>, vector<512x256xf32>, vector<1x256xf32> -> vector<1x256xf32>
      %add3A_249 = arith.addf %get3A_246, %dot_general3A_248 : vector<1x256xf32>
      %swap3A = arith.constant 0 : index
      %swap3A_250 = arith.constant 0 : index
      %swap3A_251 = vector.load %arg10[%swap3A, %swap3A_250] : memref<1x256xf32, #tpu.memory_space<vmem>>, vector<1x256xf32>
      tpu.vector_store %arg10[%swap3A, %swap3A_250], %add3A_249 {strides = array<i32>} : memref<1x256xf32, #tpu.memory_space<vmem>>, vector<1x256xf32>,
      %get3A_252 = arith.constant 0 : index
      %get3A_253 = arith.constant 0 : index
      %get3A_254 = vector.load %arg11[%get3A_252, %get3A_253] : memref<1x256xf32, #tpu.memory_space<vmem>>, vector<1x256xf32>
      %dot_general3A_255 = arith.constant dense<0.000000e+00> : vector<1x256xf32>
      %dot_general3A_256 = tpu.matmul %broadcast_in_dim3A_89, %convert_element_type3A_232, %dot_general3A_255 {dimension_numbers = #tpu.dot_dimension_numbers<[1], [0], [0], [1], [0, 0, 1, 1], [], []>, transpose_lhs_hint = false} : vector<1x512xf32>, vector<512x256xf32>, vector<1x256xf32> -> vector<1x256xf32>
      %add3A_257 = arith.addf %get3A_254, %dot_general3A_256 : vector<1x256xf32>
      %swap3A_258 = arith.constant 0 : index
      %swap3A_259 = arith.constant 0 : index
      %swap3A_260 = vector.load %arg11[%swap3A_258, %swap3A_259] : memref<1x256xf32, #tpu.memory_space<vmem>>, vector<1x256xf32>
      tpu.vector_store %arg11[%swap3A_258, %swap3A_259], %add3A_257 {strides = array<i32>} : memref<1x256xf32, #tpu.memory_space<vmem>>, vector<1x256xf32>,
      %get3A_261 = arith.constant 0 : index
      %get3A_262 = arith.constant 0 : index
      %get3A_263 = vector.load %arg12[%get3A_261, %get3A_262] : memref<1x256xf32, #tpu.memory_space<vmem>>, vector<1x256xf32>
      %dot_general3A_264 = arith.constant dense<0.000000e+00> : vector<1x256xf32>
      %dot_general3A_265 = tpu.matmul %broadcast_in_dim3A_89, %select_n3A_243, %dot_general3A_264 {dimension_numbers = #tpu.dot_dimension_numbers<[1], [0], [0], [1], [0, 0, 1, 1], [], []>, transpose_lhs_hint = false} : vector<1x512xf32>, vector<512x256xf32>, vector<1x256xf32> -> vector<1x256xf32>
      %add3A_266 = arith.addf %get3A_263, %dot_general3A_265 : vector<1x256xf32>
      %swap3A_267 = arith.constant 0 : index
      %swap3A_268 = arith.constant 0 : index
      %swap3A_269 = vector.load %arg12[%swap3A_267, %swap3A_268] : memref<1x256xf32, #tpu.memory_space<vmem>>, vector<1x256xf32>
      tpu.vector_store %arg12[%swap3A_267, %swap3A_268], %add3A_266 {strides = array<i32>} : memref<1x256xf32, #tpu.memory_space<vmem>>, vector<1x256xf32>,
    } else {
    }
    %lt3A_104 = arith.constant 768 : i32
    %lt3A_105 = arith.cmpi slt, %reduce_sum3A_69, %lt3A_104 : i32
    %gt3A_106 = arith.constant 512 : i32
    %gt3A_107 = arith.cmpi sgt, %reduce_sum3A_76, %gt3A_106 : i32
    %and3A_108 = arith.andi %lt3A_105, %gt3A_107 : i1
    %convert_element_type3A_109 = arith.extui %and3A_108 : i1 to i32
    %cond3A_110 = arith.constant 0 : i32
    %cond3A_111 = arith.cmpi ne, %convert_element_type3A_109, %cond3A_110 : i32
    scf.if %cond3A_111 {
      %slice3A = vector.extract_strided_slice %add3A_12 {offsets = [0, 512], sizes = [512, 256], strides = [1, 1]} : vector<512x4096xf32> to vector<512x256xf32>
      %slice3A_221 = vector.extract_strided_slice %eq3A_26 {offsets = [0, 512], sizes = [512, 256], strides = [1, 1]} : vector<512x4096xi1> to vector<512x256xi1>
      %gt3A_222 = vector.broadcast %broadcast_in_dim3A_43 : vector<512x1xf32> to vector<512x256xf32>
      %gt3A_223 = arith.cmpf ogt, %slice3A, %gt3A_222 : vector<512x256xf32>
      %and3A_224 = arith.andi %slice3A_221, %gt3A_223 : vector<512x256xi1>
      %slice3A_225 = vector.extract_strided_slice %get3A_80 {offsets = [512], sizes = [256], strides = [1]} : vector<4096xi32> to vector<256xi32>
      %broadcast_in_dim3A_226 = vector.shape_cast %slice3A_225 : vector<256xi32> to vector<1x256xi32>
      %lt3A_227 = vector.broadcast %broadcast_in_dim3A_87 : vector<512x1xi32> to vector<512x256xi32>
      %lt3A_228 = vector.broadcast %broadcast_in_dim3A_226 : vector<1x256xi32> to vector<512x256xi32>
      %lt3A_229 = arith.cmpi slt, %lt3A_227, %lt3A_228 : vector<512x256xi32>
      %and3A_230 = arith.andi %and3A_224, %lt3A_229 : vector<512x256xi1>
      %convert_element_type3A_231 = arith.extui %and3A_230 : vector<512x256xi1> to vector<512x256xi32>
      %convert_element_type3A_232 = arith.sitofp %convert_element_type3A_231 : vector<512x256xi32> to vector<512x256xf32>
      %add3A_233 = vector.broadcast %broadcast_in_dim3A_47 : vector<512x1xf32> to vector<512x256xf32>
      %add3A_234 = arith.addf %slice3A, %add3A_233 : vector<512x256xf32>
      %max3A_235 = arith.constant 0.000000e+00 : f32
      %max3A_236 = vector.broadcast %max3A_235 : f32 to vector<512x256xf32>
      %max3A_237 = arith.maximumf %add3A_234, %max3A_236 : vector<512x256xf32>
      %mul3A_238 = arith.mulf %convert_element_type3A_232, %max3A_237 : vector<512x256xf32>
      %lt3A_239 = vector.broadcast %broadcast_in_dim3A_48 : vector<512x1xf32> to vector<512x256xf32>
      %lt3A_240 = arith.cmpf olt, %slice3A, %lt3A_239 : vector<512x256xf32>
      %jit3A_241 = arith.constant 0.000000e+00 : f32
      %broadcast_in_dim3A_242 = vector.broadcast %jit3A_241 : f32 to vector<512x256xf32>
      %select_n3A_243 = arith.select %lt3A_240, %convert_element_type3A_232, %broadcast_in_dim3A_242 : vector<512x256xi1>, vector<512x256xf32>
      %get3A_244 = arith.constant 0 : index
      %get3A_245 = arith.constant 0 : index
      %get3A_246 = vector.load %arg10[%get3A_244, %get3A_245] : memref<1x256xf32, #tpu.memory_space<vmem>>, vector<1x256xf32>
      %dot_general3A_247 = arith.constant dense<0.000000e+00> : vector<1x256xf32>
      %dot_general3A_248 = tpu.matmul %broadcast_in_dim3A_89, %mul3A_238, %dot_general3A_247 {dimension_numbers = #tpu.dot_dimension_numbers<[1], [0], [0], [1], [0, 0, 1, 1], [], []>, transpose_lhs_hint = false} : vector<1x512xf32>, vector<512x256xf32>, vector<1x256xf32> -> vector<1x256xf32>
      %add3A_249 = arith.addf %get3A_246, %dot_general3A_248 : vector<1x256xf32>
      %swap3A = arith.constant 0 : index
      %swap3A_250 = arith.constant 0 : index
      %swap3A_251 = vector.load %arg10[%swap3A, %swap3A_250] : memref<1x256xf32, #tpu.memory_space<vmem>>, vector<1x256xf32>
      tpu.vector_store %arg10[%swap3A, %swap3A_250], %add3A_249 {strides = array<i32>} : memref<1x256xf32, #tpu.memory_space<vmem>>, vector<1x256xf32>,
      %get3A_252 = arith.constant 0 : index
      %get3A_253 = arith.constant 0 : index
      %get3A_254 = vector.load %arg11[%get3A_252, %get3A_253] : memref<1x256xf32, #tpu.memory_space<vmem>>, vector<1x256xf32>
      %dot_general3A_255 = arith.constant dense<0.000000e+00> : vector<1x256xf32>
      %dot_general3A_256 = tpu.matmul %broadcast_in_dim3A_89, %convert_element_type3A_232, %dot_general3A_255 {dimension_numbers = #tpu.dot_dimension_numbers<[1], [0], [0], [1], [0, 0, 1, 1], [], []>, transpose_lhs_hint = false} : vector<1x512xf32>, vector<512x256xf32>, vector<1x256xf32> -> vector<1x256xf32>
      %add3A_257 = arith.addf %get3A_254, %dot_general3A_256 : vector<1x256xf32>
      %swap3A_258 = arith.constant 0 : index
      %swap3A_259 = arith.constant 0 : index
      %swap3A_260 = vector.load %arg11[%swap3A_258, %swap3A_259] : memref<1x256xf32, #tpu.memory_space<vmem>>, vector<1x256xf32>
      tpu.vector_store %arg11[%swap3A_258, %swap3A_259], %add3A_257 {strides = array<i32>} : memref<1x256xf32, #tpu.memory_space<vmem>>, vector<1x256xf32>,
      %get3A_261 = arith.constant 0 : index
      %get3A_262 = arith.constant 0 : index
      %get3A_263 = vector.load %arg12[%get3A_261, %get3A_262] : memref<1x256xf32, #tpu.memory_space<vmem>>, vector<1x256xf32>
      %dot_general3A_264 = arith.constant dense<0.000000e+00> : vector<1x256xf32>
      %dot_general3A_265 = tpu.matmul %broadcast_in_dim3A_89, %select_n3A_243, %dot_general3A_264 {dimension_numbers = #tpu.dot_dimension_numbers<[1], [0], [0], [1], [0, 0, 1, 1], [], []>, transpose_lhs_hint = false} : vector<1x512xf32>, vector<512x256xf32>, vector<1x256xf32> -> vector<1x256xf32>
      %add3A_266 = arith.addf %get3A_263, %dot_general3A_265 : vector<1x256xf32>
      %swap3A_267 = arith.constant 0 : index
      %swap3A_268 = arith.constant 0 : index
      %swap3A_269 = vector.load %arg12[%swap3A_267, %swap3A_268] : memref<1x256xf32, #tpu.memory_space<vmem>>, vector<1x256xf32>
      tpu.vector_store %arg12[%swap3A_267, %swap3A_268], %add3A_266 {strides = array<i32>} : memref<1x256xf32, #tpu.memory_space<vmem>>, vector<1x256xf32>,
    } else {
    }
    %lt3A_112 = arith.constant 1024 : i32
    %lt3A_113 = arith.cmpi slt, %reduce_sum3A_69, %lt3A_112 : i32
    %gt3A_114 = arith.constant 768 : i32
    %gt3A_115 = arith.cmpi sgt, %reduce_sum3A_76, %gt3A_114 : i32
    %and3A_116 = arith.andi %lt3A_113, %gt3A_115 : i1
    %convert_element_type3A_117 = arith.extui %and3A_116 : i1 to i32
    %cond3A_118 = arith.constant 0 : i32
    %cond3A_119 = arith.cmpi ne, %convert_element_type3A_117, %cond3A_118 : i32
    scf.if %cond3A_119 {
      %slice3A = vector.extract_strided_slice %add3A_12 {offsets = [0, 768], sizes = [512, 256], strides = [1, 1]} : vector<512x4096xf32> to vector<512x256xf32>
      %slice3A_221 = vector.extract_strided_slice %eq3A_26 {offsets = [0, 768], sizes = [512, 256], strides = [1, 1]} : vector<512x4096xi1> to vector<512x256xi1>
      %gt3A_222 = vector.broadcast %broadcast_in_dim3A_43 : vector<512x1xf32> to vector<512x256xf32>
      %gt3A_223 = arith.cmpf ogt, %slice3A, %gt3A_222 : vector<512x256xf32>
      %and3A_224 = arith.andi %slice3A_221, %gt3A_223 : vector<512x256xi1>
      %slice3A_225 = vector.extract_strided_slice %get3A_80 {offsets = [768], sizes = [256], strides = [1]} : vector<4096xi32> to vector<256xi32>
      %broadcast_in_dim3A_226 = vector.shape_cast %slice3A_225 : vector<256xi32> to vector<1x256xi32>
      %lt3A_227 = vector.broadcast %broadcast_in_dim3A_87 : vector<512x1xi32> to vector<512x256xi32>
      %lt3A_228 = vector.broadcast %broadcast_in_dim3A_226 : vector<1x256xi32> to vector<512x256xi32>
      %lt3A_229 = arith.cmpi slt, %lt3A_227, %lt3A_228 : vector<512x256xi32>
      %and3A_230 = arith.andi %and3A_224, %lt3A_229 : vector<512x256xi1>
      %convert_element_type3A_231 = arith.extui %and3A_230 : vector<512x256xi1> to vector<512x256xi32>
      %convert_element_type3A_232 = arith.sitofp %convert_element_type3A_231 : vector<512x256xi32> to vector<512x256xf32>
      %add3A_233 = vector.broadcast %broadcast_in_dim3A_47 : vector<512x1xf32> to vector<512x256xf32>
      %add3A_234 = arith.addf %slice3A, %add3A_233 : vector<512x256xf32>
      %max3A_235 = arith.constant 0.000000e+00 : f32
      %max3A_236 = vector.broadcast %max3A_235 : f32 to vector<512x256xf32>
      %max3A_237 = arith.maximumf %add3A_234, %max3A_236 : vector<512x256xf32>
      %mul3A_238 = arith.mulf %convert_element_type3A_232, %max3A_237 : vector<512x256xf32>
      %lt3A_239 = vector.broadcast %broadcast_in_dim3A_48 : vector<512x1xf32> to vector<512x256xf32>
      %lt3A_240 = arith.cmpf olt, %slice3A, %lt3A_239 : vector<512x256xf32>
      %jit3A_241 = arith.constant 0.000000e+00 : f32
      %broadcast_in_dim3A_242 = vector.broadcast %jit3A_241 : f32 to vector<512x256xf32>
      %select_n3A_243 = arith.select %lt3A_240, %convert_element_type3A_232, %broadcast_in_dim3A_242 : vector<512x256xi1>, vector<512x256xf32>
      %get3A_244 = arith.constant 0 : index
      %get3A_245 = arith.constant 0 : index
      %get3A_246 = vector.load %arg10[%get3A_244, %get3A_245] : memref<1x256xf32, #tpu.memory_space<vmem>>, vector<1x256xf32>
      %dot_general3A_247 = arith.constant dense<0.000000e+00> : vector<1x256xf32>
      %dot_general3A_248 = tpu.matmul %broadcast_in_dim3A_89, %mul3A_238, %dot_general3A_247 {dimension_numbers = #tpu.dot_dimension_numbers<[1], [0], [0], [1], [0, 0, 1, 1], [], []>, transpose_lhs_hint = false} : vector<1x512xf32>, vector<512x256xf32>, vector<1x256xf32> -> vector<1x256xf32>
      %add3A_249 = arith.addf %get3A_246, %dot_general3A_248 : vector<1x256xf32>
      %swap3A = arith.constant 0 : index
      %swap3A_250 = arith.constant 0 : index
      %swap3A_251 = vector.load %arg10[%swap3A, %swap3A_250] : memref<1x256xf32, #tpu.memory_space<vmem>>, vector<1x256xf32>
      tpu.vector_store %arg10[%swap3A, %swap3A_250], %add3A_249 {strides = array<i32>} : memref<1x256xf32, #tpu.memory_space<vmem>>, vector<1x256xf32>,
      %get3A_252 = arith.constant 0 : index
      %get3A_253 = arith.constant 0 : index
      %get3A_254 = vector.load %arg11[%get3A_252, %get3A_253] : memref<1x256xf32, #tpu.memory_space<vmem>>, vector<1x256xf32>
      %dot_general3A_255 = arith.constant dense<0.000000e+00> : vector<1x256xf32>
      %dot_general3A_256 = tpu.matmul %broadcast_in_dim3A_89, %convert_element_type3A_232, %dot_general3A_255 {dimension_numbers = #tpu.dot_dimension_numbers<[1], [0], [0], [1], [0, 0, 1, 1], [], []>, transpose_lhs_hint = false} : vector<1x512xf32>, vector<512x256xf32>, vector<1x256xf32> -> vector<1x256xf32>
      %add3A_257 = arith.addf %get3A_254, %dot_general3A_256 : vector<1x256xf32>
      %swap3A_258 = arith.constant 0 : index
      %swap3A_259 = arith.constant 0 : index
      %swap3A_260 = vector.load %arg11[%swap3A_258, %swap3A_259] : memref<1x256xf32, #tpu.memory_space<vmem>>, vector<1x256xf32>
      tpu.vector_store %arg11[%swap3A_258, %swap3A_259], %add3A_257 {strides = array<i32>} : memref<1x256xf32, #tpu.memory_space<vmem>>, vector<1x256xf32>,
      %get3A_261 = arith.constant 0 : index
      %get3A_262 = arith.constant 0 : index
      %get3A_263 = vector.load %arg12[%get3A_261, %get3A_262] : memref<1x256xf32, #tpu.memory_space<vmem>>, vector<1x256xf32>
      %dot_general3A_264 = arith.constant dense<0.000000e+00> : vector<1x256xf32>
      %dot_general3A_265 = tpu.matmul %broadcast_in_dim3A_89, %select_n3A_243, %dot_general3A_264 {dimension_numbers = #tpu.dot_dimension_numbers<[1], [0], [0], [1], [0, 0, 1, 1], [], []>, transpose_lhs_hint = false} : vector<1x512xf32>, vector<512x256xf32>, vector<1x256xf32> -> vector<1x256xf32>
      %add3A_266 = arith.addf %get3A_263, %dot_general3A_265 : vector<1x256xf32>
      %swap3A_267 = arith.constant 0 : index
      %swap3A_268 = arith.constant 0 : index
      %swap3A_269 = vector.load %arg12[%swap3A_267, %swap3A_268] : memref<1x256xf32, #tpu.memory_space<vmem>>, vector<1x256xf32>
      tpu.vector_store %arg12[%swap3A_267, %swap3A_268], %add3A_266 {strides = array<i32>} : memref<1x256xf32, #tpu.memory_space<vmem>>, vector<1x256xf32>,
    } else {
    }
    %lt3A_120 = arith.constant 1280 : i32
    %lt3A_121 = arith.cmpi slt, %reduce_sum3A_69, %lt3A_120 : i32
    %gt3A_122 = arith.constant 1024 : i32
    %gt3A_123 = arith.cmpi sgt, %reduce_sum3A_76, %gt3A_122 : i32
    %and3A_124 = arith.andi %lt3A_121, %gt3A_123 : i1
    %convert_element_type3A_125 = arith.extui %and3A_124 : i1 to i32
    %cond3A_126 = arith.constant 0 : i32
    %cond3A_127 = arith.cmpi ne, %convert_element_type3A_125, %cond3A_126 : i32
    scf.if %cond3A_127 {
      %slice3A = vector.extract_strided_slice %add3A_12 {offsets = [0, 1024], sizes = [512, 256], strides = [1, 1]} : vector<512x4096xf32> to vector<512x256xf32>
      %slice3A_221 = vector.extract_strided_slice %eq3A_26 {offsets = [0, 1024], sizes = [512, 256], strides = [1, 1]} : vector<512x4096xi1> to vector<512x256xi1>
      %gt3A_222 = vector.broadcast %broadcast_in_dim3A_43 : vector<512x1xf32> to vector<512x256xf32>
      %gt3A_223 = arith.cmpf ogt, %slice3A, %gt3A_222 : vector<512x256xf32>
      %and3A_224 = arith.andi %slice3A_221, %gt3A_223 : vector<512x256xi1>
      %slice3A_225 = vector.extract_strided_slice %get3A_80 {offsets = [1024], sizes = [256], strides = [1]} : vector<4096xi32> to vector<256xi32>
      %broadcast_in_dim3A_226 = vector.shape_cast %slice3A_225 : vector<256xi32> to vector<1x256xi32>
      %lt3A_227 = vector.broadcast %broadcast_in_dim3A_87 : vector<512x1xi32> to vector<512x256xi32>
      %lt3A_228 = vector.broadcast %broadcast_in_dim3A_226 : vector<1x256xi32> to vector<512x256xi32>
      %lt3A_229 = arith.cmpi slt, %lt3A_227, %lt3A_228 : vector<512x256xi32>
      %and3A_230 = arith.andi %and3A_224, %lt3A_229 : vector<512x256xi1>
      %convert_element_type3A_231 = arith.extui %and3A_230 : vector<512x256xi1> to vector<512x256xi32>
      %convert_element_type3A_232 = arith.sitofp %convert_element_type3A_231 : vector<512x256xi32> to vector<512x256xf32>
      %add3A_233 = vector.broadcast %broadcast_in_dim3A_47 : vector<512x1xf32> to vector<512x256xf32>
      %add3A_234 = arith.addf %slice3A, %add3A_233 : vector<512x256xf32>
      %max3A_235 = arith.constant 0.000000e+00 : f32
      %max3A_236 = vector.broadcast %max3A_235 : f32 to vector<512x256xf32>
      %max3A_237 = arith.maximumf %add3A_234, %max3A_236 : vector<512x256xf32>
      %mul3A_238 = arith.mulf %convert_element_type3A_232, %max3A_237 : vector<512x256xf32>
      %lt3A_239 = vector.broadcast %broadcast_in_dim3A_48 : vector<512x1xf32> to vector<512x256xf32>
      %lt3A_240 = arith.cmpf olt, %slice3A, %lt3A_239 : vector<512x256xf32>
      %jit3A_241 = arith.constant 0.000000e+00 : f32
      %broadcast_in_dim3A_242 = vector.broadcast %jit3A_241 : f32 to vector<512x256xf32>
      %select_n3A_243 = arith.select %lt3A_240, %convert_element_type3A_232, %broadcast_in_dim3A_242 : vector<512x256xi1>, vector<512x256xf32>
      %get3A_244 = arith.constant 0 : index
      %get3A_245 = arith.constant 0 : index
      %get3A_246 = vector.load %arg10[%get3A_244, %get3A_245] : memref<1x256xf32, #tpu.memory_space<vmem>>, vector<1x256xf32>
      %dot_general3A_247 = arith.constant dense<0.000000e+00> : vector<1x256xf32>
      %dot_general3A_248 = tpu.matmul %broadcast_in_dim3A_89, %mul3A_238, %dot_general3A_247 {dimension_numbers = #tpu.dot_dimension_numbers<[1], [0], [0], [1], [0, 0, 1, 1], [], []>, transpose_lhs_hint = false} : vector<1x512xf32>, vector<512x256xf32>, vector<1x256xf32> -> vector<1x256xf32>
      %add3A_249 = arith.addf %get3A_246, %dot_general3A_248 : vector<1x256xf32>
      %swap3A = arith.constant 0 : index
      %swap3A_250 = arith.constant 0 : index
      %swap3A_251 = vector.load %arg10[%swap3A, %swap3A_250] : memref<1x256xf32, #tpu.memory_space<vmem>>, vector<1x256xf32>
      tpu.vector_store %arg10[%swap3A, %swap3A_250], %add3A_249 {strides = array<i32>} : memref<1x256xf32, #tpu.memory_space<vmem>>, vector<1x256xf32>,
      %get3A_252 = arith.constant 0 : index
      %get3A_253 = arith.constant 0 : index
      %get3A_254 = vector.load %arg11[%get3A_252, %get3A_253] : memref<1x256xf32, #tpu.memory_space<vmem>>, vector<1x256xf32>
      %dot_general3A_255 = arith.constant dense<0.000000e+00> : vector<1x256xf32>
      %dot_general3A_256 = tpu.matmul %broadcast_in_dim3A_89, %convert_element_type3A_232, %dot_general3A_255 {dimension_numbers = #tpu.dot_dimension_numbers<[1], [0], [0], [1], [0, 0, 1, 1], [], []>, transpose_lhs_hint = false} : vector<1x512xf32>, vector<512x256xf32>, vector<1x256xf32> -> vector<1x256xf32>
      %add3A_257 = arith.addf %get3A_254, %dot_general3A_256 : vector<1x256xf32>
      %swap3A_258 = arith.constant 0 : index
      %swap3A_259 = arith.constant 0 : index
      %swap3A_260 = vector.load %arg11[%swap3A_258, %swap3A_259] : memref<1x256xf32, #tpu.memory_space<vmem>>, vector<1x256xf32>
      tpu.vector_store %arg11[%swap3A_258, %swap3A_259], %add3A_257 {strides = array<i32>} : memref<1x256xf32, #tpu.memory_space<vmem>>, vector<1x256xf32>,
      %get3A_261 = arith.constant 0 : index
      %get3A_262 = arith.constant 0 : index
      %get3A_263 = vector.load %arg12[%get3A_261, %get3A_262] : memref<1x256xf32, #tpu.memory_space<vmem>>, vector<1x256xf32>
      %dot_general3A_264 = arith.constant dense<0.000000e+00> : vector<1x256xf32>
      %dot_general3A_265 = tpu.matmul %broadcast_in_dim3A_89, %select_n3A_243, %dot_general3A_264 {dimension_numbers = #tpu.dot_dimension_numbers<[1], [0], [0], [1], [0, 0, 1, 1], [], []>, transpose_lhs_hint = false} : vector<1x512xf32>, vector<512x256xf32>, vector<1x256xf32> -> vector<1x256xf32>
      %add3A_266 = arith.addf %get3A_263, %dot_general3A_265 : vector<1x256xf32>
      %swap3A_267 = arith.constant 0 : index
      %swap3A_268 = arith.constant 0 : index
      %swap3A_269 = vector.load %arg12[%swap3A_267, %swap3A_268] : memref<1x256xf32, #tpu.memory_space<vmem>>, vector<1x256xf32>
      tpu.vector_store %arg12[%swap3A_267, %swap3A_268], %add3A_266 {strides = array<i32>} : memref<1x256xf32, #tpu.memory_space<vmem>>, vector<1x256xf32>,
    } else {
    }
    %lt3A_128 = arith.constant 1536 : i32
    %lt3A_129 = arith.cmpi slt, %reduce_sum3A_69, %lt3A_128 : i32
    %gt3A_130 = arith.constant 1280 : i32
    %gt3A_131 = arith.cmpi sgt, %reduce_sum3A_76, %gt3A_130 : i32
    %and3A_132 = arith.andi %lt3A_129, %gt3A_131 : i1
    %convert_element_type3A_133 = arith.extui %and3A_132 : i1 to i32
    %cond3A_134 = arith.constant 0 : i32
    %cond3A_135 = arith.cmpi ne, %convert_element_type3A_133, %cond3A_134 : i32
    scf.if %cond3A_135 {
      %slice3A = vector.extract_strided_slice %add3A_12 {offsets = [0, 1280], sizes = [512, 256], strides = [1, 1]} : vector<512x4096xf32> to vector<512x256xf32>
      %slice3A_221 = vector.extract_strided_slice %eq3A_26 {offsets = [0, 1280], sizes = [512, 256], strides = [1, 1]} : vector<512x4096xi1> to vector<512x256xi1>
      %gt3A_222 = vector.broadcast %broadcast_in_dim3A_43 : vector<512x1xf32> to vector<512x256xf32>
      %gt3A_223 = arith.cmpf ogt, %slice3A, %gt3A_222 : vector<512x256xf32>
      %and3A_224 = arith.andi %slice3A_221, %gt3A_223 : vector<512x256xi1>
      %slice3A_225 = vector.extract_strided_slice %get3A_80 {offsets = [1280], sizes = [256], strides = [1]} : vector<4096xi32> to vector<256xi32>
      %broadcast_in_dim3A_226 = vector.shape_cast %slice3A_225 : vector<256xi32> to vector<1x256xi32>
      %lt3A_227 = vector.broadcast %broadcast_in_dim3A_87 : vector<512x1xi32> to vector<512x256xi32>
      %lt3A_228 = vector.broadcast %broadcast_in_dim3A_226 : vector<1x256xi32> to vector<512x256xi32>
      %lt3A_229 = arith.cmpi slt, %lt3A_227, %lt3A_228 : vector<512x256xi32>
      %and3A_230 = arith.andi %and3A_224, %lt3A_229 : vector<512x256xi1>
      %convert_element_type3A_231 = arith.extui %and3A_230 : vector<512x256xi1> to vector<512x256xi32>
      %convert_element_type3A_232 = arith.sitofp %convert_element_type3A_231 : vector<512x256xi32> to vector<512x256xf32>
      %add3A_233 = vector.broadcast %broadcast_in_dim3A_47 : vector<512x1xf32> to vector<512x256xf32>
      %add3A_234 = arith.addf %slice3A, %add3A_233 : vector<512x256xf32>
      %max3A_235 = arith.constant 0.000000e+00 : f32
      %max3A_236 = vector.broadcast %max3A_235 : f32 to vector<512x256xf32>
      %max3A_237 = arith.maximumf %add3A_234, %max3A_236 : vector<512x256xf32>
      %mul3A_238 = arith.mulf %convert_element_type3A_232, %max3A_237 : vector<512x256xf32>
      %lt3A_239 = vector.broadcast %broadcast_in_dim3A_48 : vector<512x1xf32> to vector<512x256xf32>
      %lt3A_240 = arith.cmpf olt, %slice3A, %lt3A_239 : vector<512x256xf32>
      %jit3A_241 = arith.constant 0.000000e+00 : f32
      %broadcast_in_dim3A_242 = vector.broadcast %jit3A_241 : f32 to vector<512x256xf32>
      %select_n3A_243 = arith.select %lt3A_240, %convert_element_type3A_232, %broadcast_in_dim3A_242 : vector<512x256xi1>, vector<512x256xf32>
      %get3A_244 = arith.constant 0 : index
      %get3A_245 = arith.constant 0 : index
      %get3A_246 = vector.load %arg10[%get3A_244, %get3A_245] : memref<1x256xf32, #tpu.memory_space<vmem>>, vector<1x256xf32>
      %dot_general3A_247 = arith.constant dense<0.000000e+00> : vector<1x256xf32>
      %dot_general3A_248 = tpu.matmul %broadcast_in_dim3A_89, %mul3A_238, %dot_general3A_247 {dimension_numbers = #tpu.dot_dimension_numbers<[1], [0], [0], [1], [0, 0, 1, 1], [], []>, transpose_lhs_hint = false} : vector<1x512xf32>, vector<512x256xf32>, vector<1x256xf32> -> vector<1x256xf32>
      %add3A_249 = arith.addf %get3A_246, %dot_general3A_248 : vector<1x256xf32>
      %swap3A = arith.constant 0 : index
      %swap3A_250 = arith.constant 0 : index
      %swap3A_251 = vector.load %arg10[%swap3A, %swap3A_250] : memref<1x256xf32, #tpu.memory_space<vmem>>, vector<1x256xf32>
      tpu.vector_store %arg10[%swap3A, %swap3A_250], %add3A_249 {strides = array<i32>} : memref<1x256xf32, #tpu.memory_space<vmem>>, vector<1x256xf32>,
      %get3A_252 = arith.constant 0 : index
      %get3A_253 = arith.constant 0 : index
      %get3A_254 = vector.load %arg11[%get3A_252, %get3A_253] : memref<1x256xf32, #tpu.memory_space<vmem>>, vector<1x256xf32>
      %dot_general3A_255 = arith.constant dense<0.000000e+00> : vector<1x256xf32>
      %dot_general3A_256 = tpu.matmul %broadcast_in_dim3A_89, %convert_element_type3A_232, %dot_general3A_255 {dimension_numbers = #tpu.dot_dimension_numbers<[1], [0], [0], [1], [0, 0, 1, 1], [], []>, transpose_lhs_hint = false} : vector<1x512xf32>, vector<512x256xf32>, vector<1x256xf32> -> vector<1x256xf32>
      %add3A_257 = arith.addf %get3A_254, %dot_general3A_256 : vector<1x256xf32>
      %swap3A_258 = arith.constant 0 : index
      %swap3A_259 = arith.constant 0 : index
      %swap3A_260 = vector.load %arg11[%swap3A_258, %swap3A_259] : memref<1x256xf32, #tpu.memory_space<vmem>>, vector<1x256xf32>
      tpu.vector_store %arg11[%swap3A_258, %swap3A_259], %add3A_257 {strides = array<i32>} : memref<1x256xf32, #tpu.memory_space<vmem>>, vector<1x256xf32>,
      %get3A_261 = arith.constant 0 : index
      %get3A_262 = arith.constant 0 : index
      %get3A_263 = vector.load %arg12[%get3A_261, %get3A_262] : memref<1x256xf32, #tpu.memory_space<vmem>>, vector<1x256xf32>
      %dot_general3A_264 = arith.constant dense<0.000000e+00> : vector<1x256xf32>
      %dot_general3A_265 = tpu.matmul %broadcast_in_dim3A_89, %select_n3A_243, %dot_general3A_264 {dimension_numbers = #tpu.dot_dimension_numbers<[1], [0], [0], [1], [0, 0, 1, 1], [], []>, transpose_lhs_hint = false} : vector<1x512xf32>, vector<512x256xf32>, vector<1x256xf32> -> vector<1x256xf32>
      %add3A_266 = arith.addf %get3A_263, %dot_general3A_265 : vector<1x256xf32>
      %swap3A_267 = arith.constant 0 : index
      %swap3A_268 = arith.constant 0 : index
      %swap3A_269 = vector.load %arg12[%swap3A_267, %swap3A_268] : memref<1x256xf32, #tpu.memory_space<vmem>>, vector<1x256xf32>
      tpu.vector_store %arg12[%swap3A_267, %swap3A_268], %add3A_266 {strides = array<i32>} : memref<1x256xf32, #tpu.memory_space<vmem>>, vector<1x256xf32>,
    } else {
    }
    %lt3A_136 = arith.constant 1792 : i32
    %lt3A_137 = arith.cmpi slt, %reduce_sum3A_69, %lt3A_136 : i32
    %gt3A_138 = arith.constant 1536 : i32
    %gt3A_139 = arith.cmpi sgt, %reduce_sum3A_76, %gt3A_138 : i32
    %and3A_140 = arith.andi %lt3A_137, %gt3A_139 : i1
    %convert_element_type3A_141 = arith.extui %and3A_140 : i1 to i32
    %cond3A_142 = arith.constant 0 : i32
    %cond3A_143 = arith.cmpi ne, %convert_element_type3A_141, %cond3A_142 : i32
    scf.if %cond3A_143 {
      %slice3A = vector.extract_strided_slice %add3A_12 {offsets = [0, 1536], sizes = [512, 256], strides = [1, 1]} : vector<512x4096xf32> to vector<512x256xf32>
      %slice3A_221 = vector.extract_strided_slice %eq3A_26 {offsets = [0, 1536], sizes = [512, 256], strides = [1, 1]} : vector<512x4096xi1> to vector<512x256xi1>
      %gt3A_222 = vector.broadcast %broadcast_in_dim3A_43 : vector<512x1xf32> to vector<512x256xf32>
      %gt3A_223 = arith.cmpf ogt, %slice3A, %gt3A_222 : vector<512x256xf32>
      %and3A_224 = arith.andi %slice3A_221, %gt3A_223 : vector<512x256xi1>
      %slice3A_225 = vector.extract_strided_slice %get3A_80 {offsets = [1536], sizes = [256], strides = [1]} : vector<4096xi32> to vector<256xi32>
      %broadcast_in_dim3A_226 = vector.shape_cast %slice3A_225 : vector<256xi32> to vector<1x256xi32>
      %lt3A_227 = vector.broadcast %broadcast_in_dim3A_87 : vector<512x1xi32> to vector<512x256xi32>
      %lt3A_228 = vector.broadcast %broadcast_in_dim3A_226 : vector<1x256xi32> to vector<512x256xi32>
      %lt3A_229 = arith.cmpi slt, %lt3A_227, %lt3A_228 : vector<512x256xi32>
      %and3A_230 = arith.andi %and3A_224, %lt3A_229 : vector<512x256xi1>
      %convert_element_type3A_231 = arith.extui %and3A_230 : vector<512x256xi1> to vector<512x256xi32>
      %convert_element_type3A_232 = arith.sitofp %convert_element_type3A_231 : vector<512x256xi32> to vector<512x256xf32>
      %add3A_233 = vector.broadcast %broadcast_in_dim3A_47 : vector<512x1xf32> to vector<512x256xf32>
      %add3A_234 = arith.addf %slice3A, %add3A_233 : vector<512x256xf32>
      %max3A_235 = arith.constant 0.000000e+00 : f32
      %max3A_236 = vector.broadcast %max3A_235 : f32 to vector<512x256xf32>
      %max3A_237 = arith.maximumf %add3A_234, %max3A_236 : vector<512x256xf32>
      %mul3A_238 = arith.mulf %convert_element_type3A_232, %max3A_237 : vector<512x256xf32>
      %lt3A_239 = vector.broadcast %broadcast_in_dim3A_48 : vector<512x1xf32> to vector<512x256xf32>
      %lt3A_240 = arith.cmpf olt, %slice3A, %lt3A_239 : vector<512x256xf32>
      %jit3A_241 = arith.constant 0.000000e+00 : f32
      %broadcast_in_dim3A_242 = vector.broadcast %jit3A_241 : f32 to vector<512x256xf32>
      %select_n3A_243 = arith.select %lt3A_240, %convert_element_type3A_232, %broadcast_in_dim3A_242 : vector<512x256xi1>, vector<512x256xf32>
      %get3A_244 = arith.constant 0 : index
      %get3A_245 = arith.constant 0 : index
      %get3A_246 = vector.load %arg10[%get3A_244, %get3A_245] : memref<1x256xf32, #tpu.memory_space<vmem>>, vector<1x256xf32>
      %dot_general3A_247 = arith.constant dense<0.000000e+00> : vector<1x256xf32>
      %dot_general3A_248 = tpu.matmul %broadcast_in_dim3A_89, %mul3A_238, %dot_general3A_247 {dimension_numbers = #tpu.dot_dimension_numbers<[1], [0], [0], [1], [0, 0, 1, 1], [], []>, transpose_lhs_hint = false} : vector<1x512xf32>, vector<512x256xf32>, vector<1x256xf32> -> vector<1x256xf32>
      %add3A_249 = arith.addf %get3A_246, %dot_general3A_248 : vector<1x256xf32>
      %swap3A = arith.constant 0 : index
      %swap3A_250 = arith.constant 0 : index
      %swap3A_251 = vector.load %arg10[%swap3A, %swap3A_250] : memref<1x256xf32, #tpu.memory_space<vmem>>, vector<1x256xf32>
      tpu.vector_store %arg10[%swap3A, %swap3A_250], %add3A_249 {strides = array<i32>} : memref<1x256xf32, #tpu.memory_space<vmem>>, vector<1x256xf32>,
      %get3A_252 = arith.constant 0 : index
      %get3A_253 = arith.constant 0 : index
      %get3A_254 = vector.load %arg11[%get3A_252, %get3A_253] : memref<1x256xf32, #tpu.memory_space<vmem>>, vector<1x256xf32>
      %dot_general3A_255 = arith.constant dense<0.000000e+00> : vector<1x256xf32>
      %dot_general3A_256 = tpu.matmul %broadcast_in_dim3A_89, %convert_element_type3A_232, %dot_general3A_255 {dimension_numbers = #tpu.dot_dimension_numbers<[1], [0], [0], [1], [0, 0, 1, 1], [], []>, transpose_lhs_hint = false} : vector<1x512xf32>, vector<512x256xf32>, vector<1x256xf32> -> vector<1x256xf32>
      %add3A_257 = arith.addf %get3A_254, %dot_general3A_256 : vector<1x256xf32>
      %swap3A_258 = arith.constant 0 : index
      %swap3A_259 = arith.constant 0 : index
      %swap3A_260 = vector.load %arg11[%swap3A_258, %swap3A_259] : memref<1x256xf32, #tpu.memory_space<vmem>>, vector<1x256xf32>
      tpu.vector_store %arg11[%swap3A_258, %swap3A_259], %add3A_257 {strides = array<i32>} : memref<1x256xf32, #tpu.memory_space<vmem>>, vector<1x256xf32>,
      %get3A_261 = arith.constant 0 : index
      %get3A_262 = arith.constant 0 : index
      %get3A_263 = vector.load %arg12[%get3A_261, %get3A_262] : memref<1x256xf32, #tpu.memory_space<vmem>>, vector<1x256xf32>
      %dot_general3A_264 = arith.constant dense<0.000000e+00> : vector<1x256xf32>
      %dot_general3A_265 = tpu.matmul %broadcast_in_dim3A_89, %select_n3A_243, %dot_general3A_264 {dimension_numbers = #tpu.dot_dimension_numbers<[1], [0], [0], [1], [0, 0, 1, 1], [], []>, transpose_lhs_hint = false} : vector<1x512xf32>, vector<512x256xf32>, vector<1x256xf32> -> vector<1x256xf32>
      %add3A_266 = arith.addf %get3A_263, %dot_general3A_265 : vector<1x256xf32>
      %swap3A_267 = arith.constant 0 : index
      %swap3A_268 = arith.constant 0 : index
      %swap3A_269 = vector.load %arg12[%swap3A_267, %swap3A_268] : memref<1x256xf32, #tpu.memory_space<vmem>>, vector<1x256xf32>
      tpu.vector_store %arg12[%swap3A_267, %swap3A_268], %add3A_266 {strides = array<i32>} : memref<1x256xf32, #tpu.memory_space<vmem>>, vector<1x256xf32>,
    } else {
    }
    %lt3A_144 = arith.constant 2048 : i32
    %lt3A_145 = arith.cmpi slt, %reduce_sum3A_69, %lt3A_144 : i32
    %gt3A_146 = arith.constant 1792 : i32
    %gt3A_147 = arith.cmpi sgt, %reduce_sum3A_76, %gt3A_146 : i32
    %and3A_148 = arith.andi %lt3A_145, %gt3A_147 : i1
    %convert_element_type3A_149 = arith.extui %and3A_148 : i1 to i32
    %cond3A_150 = arith.constant 0 : i32
    %cond3A_151 = arith.cmpi ne, %convert_element_type3A_149, %cond3A_150 : i32
    scf.if %cond3A_151 {
      %slice3A = vector.extract_strided_slice %add3A_12 {offsets = [0, 1792], sizes = [512, 256], strides = [1, 1]} : vector<512x4096xf32> to vector<512x256xf32>
      %slice3A_221 = vector.extract_strided_slice %eq3A_26 {offsets = [0, 1792], sizes = [512, 256], strides = [1, 1]} : vector<512x4096xi1> to vector<512x256xi1>
      %gt3A_222 = vector.broadcast %broadcast_in_dim3A_43 : vector<512x1xf32> to vector<512x256xf32>
      %gt3A_223 = arith.cmpf ogt, %slice3A, %gt3A_222 : vector<512x256xf32>
      %and3A_224 = arith.andi %slice3A_221, %gt3A_223 : vector<512x256xi1>
      %slice3A_225 = vector.extract_strided_slice %get3A_80 {offsets = [1792], sizes = [256], strides = [1]} : vector<4096xi32> to vector<256xi32>
      %broadcast_in_dim3A_226 = vector.shape_cast %slice3A_225 : vector<256xi32> to vector<1x256xi32>
      %lt3A_227 = vector.broadcast %broadcast_in_dim3A_87 : vector<512x1xi32> to vector<512x256xi32>
      %lt3A_228 = vector.broadcast %broadcast_in_dim3A_226 : vector<1x256xi32> to vector<512x256xi32>
      %lt3A_229 = arith.cmpi slt, %lt3A_227, %lt3A_228 : vector<512x256xi32>
      %and3A_230 = arith.andi %and3A_224, %lt3A_229 : vector<512x256xi1>
      %convert_element_type3A_231 = arith.extui %and3A_230 : vector<512x256xi1> to vector<512x256xi32>
      %convert_element_type3A_232 = arith.sitofp %convert_element_type3A_231 : vector<512x256xi32> to vector<512x256xf32>
      %add3A_233 = vector.broadcast %broadcast_in_dim3A_47 : vector<512x1xf32> to vector<512x256xf32>
      %add3A_234 = arith.addf %slice3A, %add3A_233 : vector<512x256xf32>
      %max3A_235 = arith.constant 0.000000e+00 : f32
      %max3A_236 = vector.broadcast %max3A_235 : f32 to vector<512x256xf32>
      %max3A_237 = arith.maximumf %add3A_234, %max3A_236 : vector<512x256xf32>
      %mul3A_238 = arith.mulf %convert_element_type3A_232, %max3A_237 : vector<512x256xf32>
      %lt3A_239 = vector.broadcast %broadcast_in_dim3A_48 : vector<512x1xf32> to vector<512x256xf32>
      %lt3A_240 = arith.cmpf olt, %slice3A, %lt3A_239 : vector<512x256xf32>
      %jit3A_241 = arith.constant 0.000000e+00 : f32
      %broadcast_in_dim3A_242 = vector.broadcast %jit3A_241 : f32 to vector<512x256xf32>
      %select_n3A_243 = arith.select %lt3A_240, %convert_element_type3A_232, %broadcast_in_dim3A_242 : vector<512x256xi1>, vector<512x256xf32>
      %get3A_244 = arith.constant 0 : index
      %get3A_245 = arith.constant 0 : index
      %get3A_246 = vector.load %arg10[%get3A_244, %get3A_245] : memref<1x256xf32, #tpu.memory_space<vmem>>, vector<1x256xf32>
      %dot_general3A_247 = arith.constant dense<0.000000e+00> : vector<1x256xf32>
      %dot_general3A_248 = tpu.matmul %broadcast_in_dim3A_89, %mul3A_238, %dot_general3A_247 {dimension_numbers = #tpu.dot_dimension_numbers<[1], [0], [0], [1], [0, 0, 1, 1], [], []>, transpose_lhs_hint = false} : vector<1x512xf32>, vector<512x256xf32>, vector<1x256xf32> -> vector<1x256xf32>
      %add3A_249 = arith.addf %get3A_246, %dot_general3A_248 : vector<1x256xf32>
      %swap3A = arith.constant 0 : index
      %swap3A_250 = arith.constant 0 : index
      %swap3A_251 = vector.load %arg10[%swap3A, %swap3A_250] : memref<1x256xf32, #tpu.memory_space<vmem>>, vector<1x256xf32>
      tpu.vector_store %arg10[%swap3A, %swap3A_250], %add3A_249 {strides = array<i32>} : memref<1x256xf32, #tpu.memory_space<vmem>>, vector<1x256xf32>,
      %get3A_252 = arith.constant 0 : index
      %get3A_253 = arith.constant 0 : index
      %get3A_254 = vector.load %arg11[%get3A_252, %get3A_253] : memref<1x256xf32, #tpu.memory_space<vmem>>, vector<1x256xf32>
      %dot_general3A_255 = arith.constant dense<0.000000e+00> : vector<1x256xf32>
      %dot_general3A_256 = tpu.matmul %broadcast_in_dim3A_89, %convert_element_type3A_232, %dot_general3A_255 {dimension_numbers = #tpu.dot_dimension_numbers<[1], [0], [0], [1], [0, 0, 1, 1], [], []>, transpose_lhs_hint = false} : vector<1x512xf32>, vector<512x256xf32>, vector<1x256xf32> -> vector<1x256xf32>
      %add3A_257 = arith.addf %get3A_254, %dot_general3A_256 : vector<1x256xf32>
      %swap3A_258 = arith.constant 0 : index
      %swap3A_259 = arith.constant 0 : index
      %swap3A_260 = vector.load %arg11[%swap3A_258, %swap3A_259] : memref<1x256xf32, #tpu.memory_space<vmem>>, vector<1x256xf32>
      tpu.vector_store %arg11[%swap3A_258, %swap3A_259], %add3A_257 {strides = array<i32>} : memref<1x256xf32, #tpu.memory_space<vmem>>, vector<1x256xf32>,
      %get3A_261 = arith.constant 0 : index
      %get3A_262 = arith.constant 0 : index
      %get3A_263 = vector.load %arg12[%get3A_261, %get3A_262] : memref<1x256xf32, #tpu.memory_space<vmem>>, vector<1x256xf32>
      %dot_general3A_264 = arith.constant dense<0.000000e+00> : vector<1x256xf32>
      %dot_general3A_265 = tpu.matmul %broadcast_in_dim3A_89, %select_n3A_243, %dot_general3A_264 {dimension_numbers = #tpu.dot_dimension_numbers<[1], [0], [0], [1], [0, 0, 1, 1], [], []>, transpose_lhs_hint = false} : vector<1x512xf32>, vector<512x256xf32>, vector<1x256xf32> -> vector<1x256xf32>
      %add3A_266 = arith.addf %get3A_263, %dot_general3A_265 : vector<1x256xf32>
      %swap3A_267 = arith.constant 0 : index
      %swap3A_268 = arith.constant 0 : index
      %swap3A_269 = vector.load %arg12[%swap3A_267, %swap3A_268] : memref<1x256xf32, #tpu.memory_space<vmem>>, vector<1x256xf32>
      tpu.vector_store %arg12[%swap3A_267, %swap3A_268], %add3A_266 {strides = array<i32>} : memref<1x256xf32, #tpu.memory_space<vmem>>, vector<1x256xf32>,
    } else {
    }
    %lt3A_152 = arith.constant 2304 : i32
    %lt3A_153 = arith.cmpi slt, %reduce_sum3A_69, %lt3A_152 : i32
    %gt3A_154 = arith.constant 2048 : i32
    %gt3A_155 = arith.cmpi sgt, %reduce_sum3A_76, %gt3A_154 : i32
    %and3A_156 = arith.andi %lt3A_153, %gt3A_155 : i1
    %convert_element_type3A_157 = arith.extui %and3A_156 : i1 to i32
    %cond3A_158 = arith.constant 0 : i32
    %cond3A_159 = arith.cmpi ne, %convert_element_type3A_157, %cond3A_158 : i32
    scf.if %cond3A_159 {
      %slice3A = vector.extract_strided_slice %add3A_12 {offsets = [0, 2048], sizes = [512, 256], strides = [1, 1]} : vector<512x4096xf32> to vector<512x256xf32>
      %slice3A_221 = vector.extract_strided_slice %eq3A_26 {offsets = [0, 2048], sizes = [512, 256], strides = [1, 1]} : vector<512x4096xi1> to vector<512x256xi1>
      %gt3A_222 = vector.broadcast %broadcast_in_dim3A_43 : vector<512x1xf32> to vector<512x256xf32>
      %gt3A_223 = arith.cmpf ogt, %slice3A, %gt3A_222 : vector<512x256xf32>
      %and3A_224 = arith.andi %slice3A_221, %gt3A_223 : vector<512x256xi1>
      %slice3A_225 = vector.extract_strided_slice %get3A_80 {offsets = [2048], sizes = [256], strides = [1]} : vector<4096xi32> to vector<256xi32>
      %broadcast_in_dim3A_226 = vector.shape_cast %slice3A_225 : vector<256xi32> to vector<1x256xi32>
      %lt3A_227 = vector.broadcast %broadcast_in_dim3A_87 : vector<512x1xi32> to vector<512x256xi32>
      %lt3A_228 = vector.broadcast %broadcast_in_dim3A_226 : vector<1x256xi32> to vector<512x256xi32>
      %lt3A_229 = arith.cmpi slt, %lt3A_227, %lt3A_228 : vector<512x256xi32>
      %and3A_230 = arith.andi %and3A_224, %lt3A_229 : vector<512x256xi1>
      %convert_element_type3A_231 = arith.extui %and3A_230 : vector<512x256xi1> to vector<512x256xi32>
      %convert_element_type3A_232 = arith.sitofp %convert_element_type3A_231 : vector<512x256xi32> to vector<512x256xf32>
      %add3A_233 = vector.broadcast %broadcast_in_dim3A_47 : vector<512x1xf32> to vector<512x256xf32>
      %add3A_234 = arith.addf %slice3A, %add3A_233 : vector<512x256xf32>
      %max3A_235 = arith.constant 0.000000e+00 : f32
      %max3A_236 = vector.broadcast %max3A_235 : f32 to vector<512x256xf32>
      %max3A_237 = arith.maximumf %add3A_234, %max3A_236 : vector<512x256xf32>
      %mul3A_238 = arith.mulf %convert_element_type3A_232, %max3A_237 : vector<512x256xf32>
      %lt3A_239 = vector.broadcast %broadcast_in_dim3A_48 : vector<512x1xf32> to vector<512x256xf32>
      %lt3A_240 = arith.cmpf olt, %slice3A, %lt3A_239 : vector<512x256xf32>
      %jit3A_241 = arith.constant 0.000000e+00 : f32
      %broadcast_in_dim3A_242 = vector.broadcast %jit3A_241 : f32 to vector<512x256xf32>
      %select_n3A_243 = arith.select %lt3A_240, %convert_element_type3A_232, %broadcast_in_dim3A_242 : vector<512x256xi1>, vector<512x256xf32>
      %get3A_244 = arith.constant 0 : index
      %get3A_245 = arith.constant 0 : index
      %get3A_246 = vector.load %arg10[%get3A_244, %get3A_245] : memref<1x256xf32, #tpu.memory_space<vmem>>, vector<1x256xf32>
      %dot_general3A_247 = arith.constant dense<0.000000e+00> : vector<1x256xf32>
      %dot_general3A_248 = tpu.matmul %broadcast_in_dim3A_89, %mul3A_238, %dot_general3A_247 {dimension_numbers = #tpu.dot_dimension_numbers<[1], [0], [0], [1], [0, 0, 1, 1], [], []>, transpose_lhs_hint = false} : vector<1x512xf32>, vector<512x256xf32>, vector<1x256xf32> -> vector<1x256xf32>
      %add3A_249 = arith.addf %get3A_246, %dot_general3A_248 : vector<1x256xf32>
      %swap3A = arith.constant 0 : index
      %swap3A_250 = arith.constant 0 : index
      %swap3A_251 = vector.load %arg10[%swap3A, %swap3A_250] : memref<1x256xf32, #tpu.memory_space<vmem>>, vector<1x256xf32>
      tpu.vector_store %arg10[%swap3A, %swap3A_250], %add3A_249 {strides = array<i32>} : memref<1x256xf32, #tpu.memory_space<vmem>>, vector<1x256xf32>,
      %get3A_252 = arith.constant 0 : index
      %get3A_253 = arith.constant 0 : index
      %get3A_254 = vector.load %arg11[%get3A_252, %get3A_253] : memref<1x256xf32, #tpu.memory_space<vmem>>, vector<1x256xf32>
      %dot_general3A_255 = arith.constant dense<0.000000e+00> : vector<1x256xf32>
      %dot_general3A_256 = tpu.matmul %broadcast_in_dim3A_89, %convert_element_type3A_232, %dot_general3A_255 {dimension_numbers = #tpu.dot_dimension_numbers<[1], [0], [0], [1], [0, 0, 1, 1], [], []>, transpose_lhs_hint = false} : vector<1x512xf32>, vector<512x256xf32>, vector<1x256xf32> -> vector<1x256xf32>
      %add3A_257 = arith.addf %get3A_254, %dot_general3A_256 : vector<1x256xf32>
      %swap3A_258 = arith.constant 0 : index
      %swap3A_259 = arith.constant 0 : index
      %swap3A_260 = vector.load %arg11[%swap3A_258, %swap3A_259] : memref<1x256xf32, #tpu.memory_space<vmem>>, vector<1x256xf32>
      tpu.vector_store %arg11[%swap3A_258, %swap3A_259], %add3A_257 {strides = array<i32>} : memref<1x256xf32, #tpu.memory_space<vmem>>, vector<1x256xf32>,
      %get3A_261 = arith.constant 0 : index
      %get3A_262 = arith.constant 0 : index
      %get3A_263 = vector.load %arg12[%get3A_261, %get3A_262] : memref<1x256xf32, #tpu.memory_space<vmem>>, vector<1x256xf32>
      %dot_general3A_264 = arith.constant dense<0.000000e+00> : vector<1x256xf32>
      %dot_general3A_265 = tpu.matmul %broadcast_in_dim3A_89, %select_n3A_243, %dot_general3A_264 {dimension_numbers = #tpu.dot_dimension_numbers<[1], [0], [0], [1], [0, 0, 1, 1], [], []>, transpose_lhs_hint = false} : vector<1x512xf32>, vector<512x256xf32>, vector<1x256xf32> -> vector<1x256xf32>
      %add3A_266 = arith.addf %get3A_263, %dot_general3A_265 : vector<1x256xf32>
      %swap3A_267 = arith.constant 0 : index
      %swap3A_268 = arith.constant 0 : index
      %swap3A_269 = vector.load %arg12[%swap3A_267, %swap3A_268] : memref<1x256xf32, #tpu.memory_space<vmem>>, vector<1x256xf32>
      tpu.vector_store %arg12[%swap3A_267, %swap3A_268], %add3A_266 {strides = array<i32>} : memref<1x256xf32, #tpu.memory_space<vmem>>, vector<1x256xf32>,
    } else {
    }
    %lt3A_160 = arith.constant 2560 : i32
    %lt3A_161 = arith.cmpi slt, %reduce_sum3A_69, %lt3A_160 : i32
    %gt3A_162 = arith.constant 2304 : i32
    %gt3A_163 = arith.cmpi sgt, %reduce_sum3A_76, %gt3A_162 : i32
    %and3A_164 = arith.andi %lt3A_161, %gt3A_163 : i1
    %convert_element_type3A_165 = arith.extui %and3A_164 : i1 to i32
    %cond3A_166 = arith.constant 0 : i32
    %cond3A_167 = arith.cmpi ne, %convert_element_type3A_165, %cond3A_166 : i32
    scf.if %cond3A_167 {
      %slice3A = vector.extract_strided_slice %add3A_12 {offsets = [0, 2304], sizes = [512, 256], strides = [1, 1]} : vector<512x4096xf32> to vector<512x256xf32>
      %slice3A_221 = vector.extract_strided_slice %eq3A_26 {offsets = [0, 2304], sizes = [512, 256], strides = [1, 1]} : vector<512x4096xi1> to vector<512x256xi1>
      %gt3A_222 = vector.broadcast %broadcast_in_dim3A_43 : vector<512x1xf32> to vector<512x256xf32>
      %gt3A_223 = arith.cmpf ogt, %slice3A, %gt3A_222 : vector<512x256xf32>
      %and3A_224 = arith.andi %slice3A_221, %gt3A_223 : vector<512x256xi1>
      %slice3A_225 = vector.extract_strided_slice %get3A_80 {offsets = [2304], sizes = [256], strides = [1]} : vector<4096xi32> to vector<256xi32>
      %broadcast_in_dim3A_226 = vector.shape_cast %slice3A_225 : vector<256xi32> to vector<1x256xi32>
      %lt3A_227 = vector.broadcast %broadcast_in_dim3A_87 : vector<512x1xi32> to vector<512x256xi32>
      %lt3A_228 = vector.broadcast %broadcast_in_dim3A_226 : vector<1x256xi32> to vector<512x256xi32>
      %lt3A_229 = arith.cmpi slt, %lt3A_227, %lt3A_228 : vector<512x256xi32>
      %and3A_230 = arith.andi %and3A_224, %lt3A_229 : vector<512x256xi1>
      %convert_element_type3A_231 = arith.extui %and3A_230 : vector<512x256xi1> to vector<512x256xi32>
      %convert_element_type3A_232 = arith.sitofp %convert_element_type3A_231 : vector<512x256xi32> to vector<512x256xf32>
      %add3A_233 = vector.broadcast %broadcast_in_dim3A_47 : vector<512x1xf32> to vector<512x256xf32>
      %add3A_234 = arith.addf %slice3A, %add3A_233 : vector<512x256xf32>
      %max3A_235 = arith.constant 0.000000e+00 : f32
      %max3A_236 = vector.broadcast %max3A_235 : f32 to vector<512x256xf32>
      %max3A_237 = arith.maximumf %add3A_234, %max3A_236 : vector<512x256xf32>
      %mul3A_238 = arith.mulf %convert_element_type3A_232, %max3A_237 : vector<512x256xf32>
      %lt3A_239 = vector.broadcast %broadcast_in_dim3A_48 : vector<512x1xf32> to vector<512x256xf32>
      %lt3A_240 = arith.cmpf olt, %slice3A, %lt3A_239 : vector<512x256xf32>
      %jit3A_241 = arith.constant 0.000000e+00 : f32
      %broadcast_in_dim3A_242 = vector.broadcast %jit3A_241 : f32 to vector<512x256xf32>
      %select_n3A_243 = arith.select %lt3A_240, %convert_element_type3A_232, %broadcast_in_dim3A_242 : vector<512x256xi1>, vector<512x256xf32>
      %get3A_244 = arith.constant 0 : index
      %get3A_245 = arith.constant 0 : index
      %get3A_246 = vector.load %arg10[%get3A_244, %get3A_245] : memref<1x256xf32, #tpu.memory_space<vmem>>, vector<1x256xf32>
      %dot_general3A_247 = arith.constant dense<0.000000e+00> : vector<1x256xf32>
      %dot_general3A_248 = tpu.matmul %broadcast_in_dim3A_89, %mul3A_238, %dot_general3A_247 {dimension_numbers = #tpu.dot_dimension_numbers<[1], [0], [0], [1], [0, 0, 1, 1], [], []>, transpose_lhs_hint = false} : vector<1x512xf32>, vector<512x256xf32>, vector<1x256xf32> -> vector<1x256xf32>
      %add3A_249 = arith.addf %get3A_246, %dot_general3A_248 : vector<1x256xf32>
      %swap3A = arith.constant 0 : index
      %swap3A_250 = arith.constant 0 : index
      %swap3A_251 = vector.load %arg10[%swap3A, %swap3A_250] : memref<1x256xf32, #tpu.memory_space<vmem>>, vector<1x256xf32>
      tpu.vector_store %arg10[%swap3A, %swap3A_250], %add3A_249 {strides = array<i32>} : memref<1x256xf32, #tpu.memory_space<vmem>>, vector<1x256xf32>,
      %get3A_252 = arith.constant 0 : index
      %get3A_253 = arith.constant 0 : index
      %get3A_254 = vector.load %arg11[%get3A_252, %get3A_253] : memref<1x256xf32, #tpu.memory_space<vmem>>, vector<1x256xf32>
      %dot_general3A_255 = arith.constant dense<0.000000e+00> : vector<1x256xf32>
      %dot_general3A_256 = tpu.matmul %broadcast_in_dim3A_89, %convert_element_type3A_232, %dot_general3A_255 {dimension_numbers = #tpu.dot_dimension_numbers<[1], [0], [0], [1], [0, 0, 1, 1], [], []>, transpose_lhs_hint = false} : vector<1x512xf32>, vector<512x256xf32>, vector<1x256xf32> -> vector<1x256xf32>
      %add3A_257 = arith.addf %get3A_254, %dot_general3A_256 : vector<1x256xf32>
      %swap3A_258 = arith.constant 0 : index
      %swap3A_259 = arith.constant 0 : index
      %swap3A_260 = vector.load %arg11[%swap3A_258, %swap3A_259] : memref<1x256xf32, #tpu.memory_space<vmem>>, vector<1x256xf32>
      tpu.vector_store %arg11[%swap3A_258, %swap3A_259], %add3A_257 {strides = array<i32>} : memref<1x256xf32, #tpu.memory_space<vmem>>, vector<1x256xf32>,
      %get3A_261 = arith.constant 0 : index
      %get3A_262 = arith.constant 0 : index
      %get3A_263 = vector.load %arg12[%get3A_261, %get3A_262] : memref<1x256xf32, #tpu.memory_space<vmem>>, vector<1x256xf32>
      %dot_general3A_264 = arith.constant dense<0.000000e+00> : vector<1x256xf32>
      %dot_general3A_265 = tpu.matmul %broadcast_in_dim3A_89, %select_n3A_243, %dot_general3A_264 {dimension_numbers = #tpu.dot_dimension_numbers<[1], [0], [0], [1], [0, 0, 1, 1], [], []>, transpose_lhs_hint = false} : vector<1x512xf32>, vector<512x256xf32>, vector<1x256xf32> -> vector<1x256xf32>
      %add3A_266 = arith.addf %get3A_263, %dot_general3A_265 : vector<1x256xf32>
      %swap3A_267 = arith.constant 0 : index
      %swap3A_268 = arith.constant 0 : index
      %swap3A_269 = vector.load %arg12[%swap3A_267, %swap3A_268] : memref<1x256xf32, #tpu.memory_space<vmem>>, vector<1x256xf32>
      tpu.vector_store %arg12[%swap3A_267, %swap3A_268], %add3A_266 {strides = array<i32>} : memref<1x256xf32, #tpu.memory_space<vmem>>, vector<1x256xf32>,
    } else {
    }
    %lt3A_168 = arith.constant 2816 : i32
    %lt3A_169 = arith.cmpi slt, %reduce_sum3A_69, %lt3A_168 : i32
    %gt3A_170 = arith.constant 2560 : i32
    %gt3A_171 = arith.cmpi sgt, %reduce_sum3A_76, %gt3A_170 : i32
    %and3A_172 = arith.andi %lt3A_169, %gt3A_171 : i1
    %convert_element_type3A_173 = arith.extui %and3A_172 : i1 to i32
    %cond3A_174 = arith.constant 0 : i32
    %cond3A_175 = arith.cmpi ne, %convert_element_type3A_173, %cond3A_174 : i32
    scf.if %cond3A_175 {
      %slice3A = vector.extract_strided_slice %add3A_12 {offsets = [0, 2560], sizes = [512, 256], strides = [1, 1]} : vector<512x4096xf32> to vector<512x256xf32>
      %slice3A_221 = vector.extract_strided_slice %eq3A_26 {offsets = [0, 2560], sizes = [512, 256], strides = [1, 1]} : vector<512x4096xi1> to vector<512x256xi1>
      %gt3A_222 = vector.broadcast %broadcast_in_dim3A_43 : vector<512x1xf32> to vector<512x256xf32>
      %gt3A_223 = arith.cmpf ogt, %slice3A, %gt3A_222 : vector<512x256xf32>
      %and3A_224 = arith.andi %slice3A_221, %gt3A_223 : vector<512x256xi1>
      %slice3A_225 = vector.extract_strided_slice %get3A_80 {offsets = [2560], sizes = [256], strides = [1]} : vector<4096xi32> to vector<256xi32>
      %broadcast_in_dim3A_226 = vector.shape_cast %slice3A_225 : vector<256xi32> to vector<1x256xi32>
      %lt3A_227 = vector.broadcast %broadcast_in_dim3A_87 : vector<512x1xi32> to vector<512x256xi32>
      %lt3A_228 = vector.broadcast %broadcast_in_dim3A_226 : vector<1x256xi32> to vector<512x256xi32>
      %lt3A_229 = arith.cmpi slt, %lt3A_227, %lt3A_228 : vector<512x256xi32>
      %and3A_230 = arith.andi %and3A_224, %lt3A_229 : vector<512x256xi1>
      %convert_element_type3A_231 = arith.extui %and3A_230 : vector<512x256xi1> to vector<512x256xi32>
      %convert_element_type3A_232 = arith.sitofp %convert_element_type3A_231 : vector<512x256xi32> to vector<512x256xf32>
      %add3A_233 = vector.broadcast %broadcast_in_dim3A_47 : vector<512x1xf32> to vector<512x256xf32>
      %add3A_234 = arith.addf %slice3A, %add3A_233 : vector<512x256xf32>
      %max3A_235 = arith.constant 0.000000e+00 : f32
      %max3A_236 = vector.broadcast %max3A_235 : f32 to vector<512x256xf32>
      %max3A_237 = arith.maximumf %add3A_234, %max3A_236 : vector<512x256xf32>
      %mul3A_238 = arith.mulf %convert_element_type3A_232, %max3A_237 : vector<512x256xf32>
      %lt3A_239 = vector.broadcast %broadcast_in_dim3A_48 : vector<512x1xf32> to vector<512x256xf32>
      %lt3A_240 = arith.cmpf olt, %slice3A, %lt3A_239 : vector<512x256xf32>
      %jit3A_241 = arith.constant 0.000000e+00 : f32
      %broadcast_in_dim3A_242 = vector.broadcast %jit3A_241 : f32 to vector<512x256xf32>
      %select_n3A_243 = arith.select %lt3A_240, %convert_element_type3A_232, %broadcast_in_dim3A_242 : vector<512x256xi1>, vector<512x256xf32>
      %get3A_244 = arith.constant 0 : index
      %get3A_245 = arith.constant 0 : index
      %get3A_246 = vector.load %arg10[%get3A_244, %get3A_245] : memref<1x256xf32, #tpu.memory_space<vmem>>, vector<1x256xf32>
      %dot_general3A_247 = arith.constant dense<0.000000e+00> : vector<1x256xf32>
      %dot_general3A_248 = tpu.matmul %broadcast_in_dim3A_89, %mul3A_238, %dot_general3A_247 {dimension_numbers = #tpu.dot_dimension_numbers<[1], [0], [0], [1], [0, 0, 1, 1], [], []>, transpose_lhs_hint = false} : vector<1x512xf32>, vector<512x256xf32>, vector<1x256xf32> -> vector<1x256xf32>
      %add3A_249 = arith.addf %get3A_246, %dot_general3A_248 : vector<1x256xf32>
      %swap3A = arith.constant 0 : index
      %swap3A_250 = arith.constant 0 : index
      %swap3A_251 = vector.load %arg10[%swap3A, %swap3A_250] : memref<1x256xf32, #tpu.memory_space<vmem>>, vector<1x256xf32>
      tpu.vector_store %arg10[%swap3A, %swap3A_250], %add3A_249 {strides = array<i32>} : memref<1x256xf32, #tpu.memory_space<vmem>>, vector<1x256xf32>,
      %get3A_252 = arith.constant 0 : index
      %get3A_253 = arith.constant 0 : index
      %get3A_254 = vector.load %arg11[%get3A_252, %get3A_253] : memref<1x256xf32, #tpu.memory_space<vmem>>, vector<1x256xf32>
      %dot_general3A_255 = arith.constant dense<0.000000e+00> : vector<1x256xf32>
      %dot_general3A_256 = tpu.matmul %broadcast_in_dim3A_89, %convert_element_type3A_232, %dot_general3A_255 {dimension_numbers = #tpu.dot_dimension_numbers<[1], [0], [0], [1], [0, 0, 1, 1], [], []>, transpose_lhs_hint = false} : vector<1x512xf32>, vector<512x256xf32>, vector<1x256xf32> -> vector<1x256xf32>
      %add3A_257 = arith.addf %get3A_254, %dot_general3A_256 : vector<1x256xf32>
      %swap3A_258 = arith.constant 0 : index
      %swap3A_259 = arith.constant 0 : index
      %swap3A_260 = vector.load %arg11[%swap3A_258, %swap3A_259] : memref<1x256xf32, #tpu.memory_space<vmem>>, vector<1x256xf32>
      tpu.vector_store %arg11[%swap3A_258, %swap3A_259], %add3A_257 {strides = array<i32>} : memref<1x256xf32, #tpu.memory_space<vmem>>, vector<1x256xf32>,
      %get3A_261 = arith.constant 0 : index
      %get3A_262 = arith.constant 0 : index
      %get3A_263 = vector.load %arg12[%get3A_261, %get3A_262] : memref<1x256xf32, #tpu.memory_space<vmem>>, vector<1x256xf32>
      %dot_general3A_264 = arith.constant dense<0.000000e+00> : vector<1x256xf32>
      %dot_general3A_265 = tpu.matmul %broadcast_in_dim3A_89, %select_n3A_243, %dot_general3A_264 {dimension_numbers = #tpu.dot_dimension_numbers<[1], [0], [0], [1], [0, 0, 1, 1], [], []>, transpose_lhs_hint = false} : vector<1x512xf32>, vector<512x256xf32>, vector<1x256xf32> -> vector<1x256xf32>
      %add3A_266 = arith.addf %get3A_263, %dot_general3A_265 : vector<1x256xf32>
      %swap3A_267 = arith.constant 0 : index
      %swap3A_268 = arith.constant 0 : index
      %swap3A_269 = vector.load %arg12[%swap3A_267, %swap3A_268] : memref<1x256xf32, #tpu.memory_space<vmem>>, vector<1x256xf32>
      tpu.vector_store %arg12[%swap3A_267, %swap3A_268], %add3A_266 {strides = array<i32>} : memref<1x256xf32, #tpu.memory_space<vmem>>, vector<1x256xf32>,
    } else {
    }
    %lt3A_176 = arith.constant 3072 : i32
    %lt3A_177 = arith.cmpi slt, %reduce_sum3A_69, %lt3A_176 : i32
    %gt3A_178 = arith.constant 2816 : i32
    %gt3A_179 = arith.cmpi sgt, %reduce_sum3A_76, %gt3A_178 : i32
    %and3A_180 = arith.andi %lt3A_177, %gt3A_179 : i1
    %convert_element_type3A_181 = arith.extui %and3A_180 : i1 to i32
    %cond3A_182 = arith.constant 0 : i32
    %cond3A_183 = arith.cmpi ne, %convert_element_type3A_181, %cond3A_182 : i32
    scf.if %cond3A_183 {
      %slice3A = vector.extract_strided_slice %add3A_12 {offsets = [0, 2816], sizes = [512, 256], strides = [1, 1]} : vector<512x4096xf32> to vector<512x256xf32>
      %slice3A_221 = vector.extract_strided_slice %eq3A_26 {offsets = [0, 2816], sizes = [512, 256], strides = [1, 1]} : vector<512x4096xi1> to vector<512x256xi1>
      %gt3A_222 = vector.broadcast %broadcast_in_dim3A_43 : vector<512x1xf32> to vector<512x256xf32>
      %gt3A_223 = arith.cmpf ogt, %slice3A, %gt3A_222 : vector<512x256xf32>
      %and3A_224 = arith.andi %slice3A_221, %gt3A_223 : vector<512x256xi1>
      %slice3A_225 = vector.extract_strided_slice %get3A_80 {offsets = [2816], sizes = [256], strides = [1]} : vector<4096xi32> to vector<256xi32>
      %broadcast_in_dim3A_226 = vector.shape_cast %slice3A_225 : vector<256xi32> to vector<1x256xi32>
      %lt3A_227 = vector.broadcast %broadcast_in_dim3A_87 : vector<512x1xi32> to vector<512x256xi32>
      %lt3A_228 = vector.broadcast %broadcast_in_dim3A_226 : vector<1x256xi32> to vector<512x256xi32>
      %lt3A_229 = arith.cmpi slt, %lt3A_227, %lt3A_228 : vector<512x256xi32>
      %and3A_230 = arith.andi %and3A_224, %lt3A_229 : vector<512x256xi1>
      %convert_element_type3A_231 = arith.extui %and3A_230 : vector<512x256xi1> to vector<512x256xi32>
      %convert_element_type3A_232 = arith.sitofp %convert_element_type3A_231 : vector<512x256xi32> to vector<512x256xf32>
      %add3A_233 = vector.broadcast %broadcast_in_dim3A_47 : vector<512x1xf32> to vector<512x256xf32>
      %add3A_234 = arith.addf %slice3A, %add3A_233 : vector<512x256xf32>
      %max3A_235 = arith.constant 0.000000e+00 : f32
      %max3A_236 = vector.broadcast %max3A_235 : f32 to vector<512x256xf32>
      %max3A_237 = arith.maximumf %add3A_234, %max3A_236 : vector<512x256xf32>
      %mul3A_238 = arith.mulf %convert_element_type3A_232, %max3A_237 : vector<512x256xf32>
      %lt3A_239 = vector.broadcast %broadcast_in_dim3A_48 : vector<512x1xf32> to vector<512x256xf32>
      %lt3A_240 = arith.cmpf olt, %slice3A, %lt3A_239 : vector<512x256xf32>
      %jit3A_241 = arith.constant 0.000000e+00 : f32
      %broadcast_in_dim3A_242 = vector.broadcast %jit3A_241 : f32 to vector<512x256xf32>
      %select_n3A_243 = arith.select %lt3A_240, %convert_element_type3A_232, %broadcast_in_dim3A_242 : vector<512x256xi1>, vector<512x256xf32>
      %get3A_244 = arith.constant 0 : index
      %get3A_245 = arith.constant 0 : index
      %get3A_246 = vector.load %arg10[%get3A_244, %get3A_245] : memref<1x256xf32, #tpu.memory_space<vmem>>, vector<1x256xf32>
      %dot_general3A_247 = arith.constant dense<0.000000e+00> : vector<1x256xf32>
      %dot_general3A_248 = tpu.matmul %broadcast_in_dim3A_89, %mul3A_238, %dot_general3A_247 {dimension_numbers = #tpu.dot_dimension_numbers<[1], [0], [0], [1], [0, 0, 1, 1], [], []>, transpose_lhs_hint = false} : vector<1x512xf32>, vector<512x256xf32>, vector<1x256xf32> -> vector<1x256xf32>
      %add3A_249 = arith.addf %get3A_246, %dot_general3A_248 : vector<1x256xf32>
      %swap3A = arith.constant 0 : index
      %swap3A_250 = arith.constant 0 : index
      %swap3A_251 = vector.load %arg10[%swap3A, %swap3A_250] : memref<1x256xf32, #tpu.memory_space<vmem>>, vector<1x256xf32>
      tpu.vector_store %arg10[%swap3A, %swap3A_250], %add3A_249 {strides = array<i32>} : memref<1x256xf32, #tpu.memory_space<vmem>>, vector<1x256xf32>,
      %get3A_252 = arith.constant 0 : index
      %get3A_253 = arith.constant 0 : index
      %get3A_254 = vector.load %arg11[%get3A_252, %get3A_253] : memref<1x256xf32, #tpu.memory_space<vmem>>, vector<1x256xf32>
      %dot_general3A_255 = arith.constant dense<0.000000e+00> : vector<1x256xf32>
      %dot_general3A_256 = tpu.matmul %broadcast_in_dim3A_89, %convert_element_type3A_232, %dot_general3A_255 {dimension_numbers = #tpu.dot_dimension_numbers<[1], [0], [0], [1], [0, 0, 1, 1], [], []>, transpose_lhs_hint = false} : vector<1x512xf32>, vector<512x256xf32>, vector<1x256xf32> -> vector<1x256xf32>
      %add3A_257 = arith.addf %get3A_254, %dot_general3A_256 : vector<1x256xf32>
      %swap3A_258 = arith.constant 0 : index
      %swap3A_259 = arith.constant 0 : index
      %swap3A_260 = vector.load %arg11[%swap3A_258, %swap3A_259] : memref<1x256xf32, #tpu.memory_space<vmem>>, vector<1x256xf32>
      tpu.vector_store %arg11[%swap3A_258, %swap3A_259], %add3A_257 {strides = array<i32>} : memref<1x256xf32, #tpu.memory_space<vmem>>, vector<1x256xf32>,
      %get3A_261 = arith.constant 0 : index
      %get3A_262 = arith.constant 0 : index
      %get3A_263 = vector.load %arg12[%get3A_261, %get3A_262] : memref<1x256xf32, #tpu.memory_space<vmem>>, vector<1x256xf32>
      %dot_general3A_264 = arith.constant dense<0.000000e+00> : vector<1x256xf32>
      %dot_general3A_265 = tpu.matmul %broadcast_in_dim3A_89, %select_n3A_243, %dot_general3A_264 {dimension_numbers = #tpu.dot_dimension_numbers<[1], [0], [0], [1], [0, 0, 1, 1], [], []>, transpose_lhs_hint = false} : vector<1x512xf32>, vector<512x256xf32>, vector<1x256xf32> -> vector<1x256xf32>
      %add3A_266 = arith.addf %get3A_263, %dot_general3A_265 : vector<1x256xf32>
      %swap3A_267 = arith.constant 0 : index
      %swap3A_268 = arith.constant 0 : index
      %swap3A_269 = vector.load %arg12[%swap3A_267, %swap3A_268] : memref<1x256xf32, #tpu.memory_space<vmem>>, vector<1x256xf32>
      tpu.vector_store %arg12[%swap3A_267, %swap3A_268], %add3A_266 {strides = array<i32>} : memref<1x256xf32, #tpu.memory_space<vmem>>, vector<1x256xf32>,
    } else {
    }
    %lt3A_184 = arith.constant 3328 : i32
    %lt3A_185 = arith.cmpi slt, %reduce_sum3A_69, %lt3A_184 : i32
    %gt3A_186 = arith.constant 3072 : i32
    %gt3A_187 = arith.cmpi sgt, %reduce_sum3A_76, %gt3A_186 : i32
    %and3A_188 = arith.andi %lt3A_185, %gt3A_187 : i1
    %convert_element_type3A_189 = arith.extui %and3A_188 : i1 to i32
    %cond3A_190 = arith.constant 0 : i32
    %cond3A_191 = arith.cmpi ne, %convert_element_type3A_189, %cond3A_190 : i32
    scf.if %cond3A_191 {
      %slice3A = vector.extract_strided_slice %add3A_12 {offsets = [0, 3072], sizes = [512, 256], strides = [1, 1]} : vector<512x4096xf32> to vector<512x256xf32>
      %slice3A_221 = vector.extract_strided_slice %eq3A_26 {offsets = [0, 3072], sizes = [512, 256], strides = [1, 1]} : vector<512x4096xi1> to vector<512x256xi1>
      %gt3A_222 = vector.broadcast %broadcast_in_dim3A_43 : vector<512x1xf32> to vector<512x256xf32>
      %gt3A_223 = arith.cmpf ogt, %slice3A, %gt3A_222 : vector<512x256xf32>
      %and3A_224 = arith.andi %slice3A_221, %gt3A_223 : vector<512x256xi1>
      %slice3A_225 = vector.extract_strided_slice %get3A_80 {offsets = [3072], sizes = [256], strides = [1]} : vector<4096xi32> to vector<256xi32>
      %broadcast_in_dim3A_226 = vector.shape_cast %slice3A_225 : vector<256xi32> to vector<1x256xi32>
      %lt3A_227 = vector.broadcast %broadcast_in_dim3A_87 : vector<512x1xi32> to vector<512x256xi32>
      %lt3A_228 = vector.broadcast %broadcast_in_dim3A_226 : vector<1x256xi32> to vector<512x256xi32>
      %lt3A_229 = arith.cmpi slt, %lt3A_227, %lt3A_228 : vector<512x256xi32>
      %and3A_230 = arith.andi %and3A_224, %lt3A_229 : vector<512x256xi1>
      %convert_element_type3A_231 = arith.extui %and3A_230 : vector<512x256xi1> to vector<512x256xi32>
      %convert_element_type3A_232 = arith.sitofp %convert_element_type3A_231 : vector<512x256xi32> to vector<512x256xf32>
      %add3A_233 = vector.broadcast %broadcast_in_dim3A_47 : vector<512x1xf32> to vector<512x256xf32>
      %add3A_234 = arith.addf %slice3A, %add3A_233 : vector<512x256xf32>
      %max3A_235 = arith.constant 0.000000e+00 : f32
      %max3A_236 = vector.broadcast %max3A_235 : f32 to vector<512x256xf32>
      %max3A_237 = arith.maximumf %add3A_234, %max3A_236 : vector<512x256xf32>
      %mul3A_238 = arith.mulf %convert_element_type3A_232, %max3A_237 : vector<512x256xf32>
      %lt3A_239 = vector.broadcast %broadcast_in_dim3A_48 : vector<512x1xf32> to vector<512x256xf32>
      %lt3A_240 = arith.cmpf olt, %slice3A, %lt3A_239 : vector<512x256xf32>
      %jit3A_241 = arith.constant 0.000000e+00 : f32
      %broadcast_in_dim3A_242 = vector.broadcast %jit3A_241 : f32 to vector<512x256xf32>
      %select_n3A_243 = arith.select %lt3A_240, %convert_element_type3A_232, %broadcast_in_dim3A_242 : vector<512x256xi1>, vector<512x256xf32>
      %get3A_244 = arith.constant 0 : index
      %get3A_245 = arith.constant 0 : index
      %get3A_246 = vector.load %arg10[%get3A_244, %get3A_245] : memref<1x256xf32, #tpu.memory_space<vmem>>, vector<1x256xf32>
      %dot_general3A_247 = arith.constant dense<0.000000e+00> : vector<1x256xf32>
      %dot_general3A_248 = tpu.matmul %broadcast_in_dim3A_89, %mul3A_238, %dot_general3A_247 {dimension_numbers = #tpu.dot_dimension_numbers<[1], [0], [0], [1], [0, 0, 1, 1], [], []>, transpose_lhs_hint = false} : vector<1x512xf32>, vector<512x256xf32>, vector<1x256xf32> -> vector<1x256xf32>
      %add3A_249 = arith.addf %get3A_246, %dot_general3A_248 : vector<1x256xf32>
      %swap3A = arith.constant 0 : index
      %swap3A_250 = arith.constant 0 : index
      %swap3A_251 = vector.load %arg10[%swap3A, %swap3A_250] : memref<1x256xf32, #tpu.memory_space<vmem>>, vector<1x256xf32>
      tpu.vector_store %arg10[%swap3A, %swap3A_250], %add3A_249 {strides = array<i32>} : memref<1x256xf32, #tpu.memory_space<vmem>>, vector<1x256xf32>,
      %get3A_252 = arith.constant 0 : index
      %get3A_253 = arith.constant 0 : index
      %get3A_254 = vector.load %arg11[%get3A_252, %get3A_253] : memref<1x256xf32, #tpu.memory_space<vmem>>, vector<1x256xf32>
      %dot_general3A_255 = arith.constant dense<0.000000e+00> : vector<1x256xf32>
      %dot_general3A_256 = tpu.matmul %broadcast_in_dim3A_89, %convert_element_type3A_232, %dot_general3A_255 {dimension_numbers = #tpu.dot_dimension_numbers<[1], [0], [0], [1], [0, 0, 1, 1], [], []>, transpose_lhs_hint = false} : vector<1x512xf32>, vector<512x256xf32>, vector<1x256xf32> -> vector<1x256xf32>
      %add3A_257 = arith.addf %get3A_254, %dot_general3A_256 : vector<1x256xf32>
      %swap3A_258 = arith.constant 0 : index
      %swap3A_259 = arith.constant 0 : index
      %swap3A_260 = vector.load %arg11[%swap3A_258, %swap3A_259] : memref<1x256xf32, #tpu.memory_space<vmem>>, vector<1x256xf32>
      tpu.vector_store %arg11[%swap3A_258, %swap3A_259], %add3A_257 {strides = array<i32>} : memref<1x256xf32, #tpu.memory_space<vmem>>, vector<1x256xf32>,
      %get3A_261 = arith.constant 0 : index
      %get3A_262 = arith.constant 0 : index
      %get3A_263 = vector.load %arg12[%get3A_261, %get3A_262] : memref<1x256xf32, #tpu.memory_space<vmem>>, vector<1x256xf32>
      %dot_general3A_264 = arith.constant dense<0.000000e+00> : vector<1x256xf32>
      %dot_general3A_265 = tpu.matmul %broadcast_in_dim3A_89, %select_n3A_243, %dot_general3A_264 {dimension_numbers = #tpu.dot_dimension_numbers<[1], [0], [0], [1], [0, 0, 1, 1], [], []>, transpose_lhs_hint = false} : vector<1x512xf32>, vector<512x256xf32>, vector<1x256xf32> -> vector<1x256xf32>
      %add3A_266 = arith.addf %get3A_263, %dot_general3A_265 : vector<1x256xf32>
      %swap3A_267 = arith.constant 0 : index
      %swap3A_268 = arith.constant 0 : index
      %swap3A_269 = vector.load %arg12[%swap3A_267, %swap3A_268] : memref<1x256xf32, #tpu.memory_space<vmem>>, vector<1x256xf32>
      tpu.vector_store %arg12[%swap3A_267, %swap3A_268], %add3A_266 {strides = array<i32>} : memref<1x256xf32, #tpu.memory_space<vmem>>, vector<1x256xf32>,
    } else {
    }
    %lt3A_192 = arith.constant 3584 : i32
    %lt3A_193 = arith.cmpi slt, %reduce_sum3A_69, %lt3A_192 : i32
    %gt3A_194 = arith.constant 3328 : i32
    %gt3A_195 = arith.cmpi sgt, %reduce_sum3A_76, %gt3A_194 : i32
    %and3A_196 = arith.andi %lt3A_193, %gt3A_195 : i1
    %convert_element_type3A_197 = arith.extui %and3A_196 : i1 to i32
    %cond3A_198 = arith.constant 0 : i32
    %cond3A_199 = arith.cmpi ne, %convert_element_type3A_197, %cond3A_198 : i32
    scf.if %cond3A_199 {
      %slice3A = vector.extract_strided_slice %add3A_12 {offsets = [0, 3328], sizes = [512, 256], strides = [1, 1]} : vector<512x4096xf32> to vector<512x256xf32>
      %slice3A_221 = vector.extract_strided_slice %eq3A_26 {offsets = [0, 3328], sizes = [512, 256], strides = [1, 1]} : vector<512x4096xi1> to vector<512x256xi1>
      %gt3A_222 = vector.broadcast %broadcast_in_dim3A_43 : vector<512x1xf32> to vector<512x256xf32>
      %gt3A_223 = arith.cmpf ogt, %slice3A, %gt3A_222 : vector<512x256xf32>
      %and3A_224 = arith.andi %slice3A_221, %gt3A_223 : vector<512x256xi1>
      %slice3A_225 = vector.extract_strided_slice %get3A_80 {offsets = [3328], sizes = [256], strides = [1]} : vector<4096xi32> to vector<256xi32>
      %broadcast_in_dim3A_226 = vector.shape_cast %slice3A_225 : vector<256xi32> to vector<1x256xi32>
      %lt3A_227 = vector.broadcast %broadcast_in_dim3A_87 : vector<512x1xi32> to vector<512x256xi32>
      %lt3A_228 = vector.broadcast %broadcast_in_dim3A_226 : vector<1x256xi32> to vector<512x256xi32>
      %lt3A_229 = arith.cmpi slt, %lt3A_227, %lt3A_228 : vector<512x256xi32>
      %and3A_230 = arith.andi %and3A_224, %lt3A_229 : vector<512x256xi1>
      %convert_element_type3A_231 = arith.extui %and3A_230 : vector<512x256xi1> to vector<512x256xi32>
      %convert_element_type3A_232 = arith.sitofp %convert_element_type3A_231 : vector<512x256xi32> to vector<512x256xf32>
      %add3A_233 = vector.broadcast %broadcast_in_dim3A_47 : vector<512x1xf32> to vector<512x256xf32>
      %add3A_234 = arith.addf %slice3A, %add3A_233 : vector<512x256xf32>
      %max3A_235 = arith.constant 0.000000e+00 : f32
      %max3A_236 = vector.broadcast %max3A_235 : f32 to vector<512x256xf32>
      %max3A_237 = arith.maximumf %add3A_234, %max3A_236 : vector<512x256xf32>
      %mul3A_238 = arith.mulf %convert_element_type3A_232, %max3A_237 : vector<512x256xf32>
      %lt3A_239 = vector.broadcast %broadcast_in_dim3A_48 : vector<512x1xf32> to vector<512x256xf32>
      %lt3A_240 = arith.cmpf olt, %slice3A, %lt3A_239 : vector<512x256xf32>
      %jit3A_241 = arith.constant 0.000000e+00 : f32
      %broadcast_in_dim3A_242 = vector.broadcast %jit3A_241 : f32 to vector<512x256xf32>
      %select_n3A_243 = arith.select %lt3A_240, %convert_element_type3A_232, %broadcast_in_dim3A_242 : vector<512x256xi1>, vector<512x256xf32>
      %get3A_244 = arith.constant 0 : index
      %get3A_245 = arith.constant 0 : index
      %get3A_246 = vector.load %arg10[%get3A_244, %get3A_245] : memref<1x256xf32, #tpu.memory_space<vmem>>, vector<1x256xf32>
      %dot_general3A_247 = arith.constant dense<0.000000e+00> : vector<1x256xf32>
      %dot_general3A_248 = tpu.matmul %broadcast_in_dim3A_89, %mul3A_238, %dot_general3A_247 {dimension_numbers = #tpu.dot_dimension_numbers<[1], [0], [0], [1], [0, 0, 1, 1], [], []>, transpose_lhs_hint = false} : vector<1x512xf32>, vector<512x256xf32>, vector<1x256xf32> -> vector<1x256xf32>
      %add3A_249 = arith.addf %get3A_246, %dot_general3A_248 : vector<1x256xf32>
      %swap3A = arith.constant 0 : index
      %swap3A_250 = arith.constant 0 : index
      %swap3A_251 = vector.load %arg10[%swap3A, %swap3A_250] : memref<1x256xf32, #tpu.memory_space<vmem>>, vector<1x256xf32>
      tpu.vector_store %arg10[%swap3A, %swap3A_250], %add3A_249 {strides = array<i32>} : memref<1x256xf32, #tpu.memory_space<vmem>>, vector<1x256xf32>,
      %get3A_252 = arith.constant 0 : index
      %get3A_253 = arith.constant 0 : index
      %get3A_254 = vector.load %arg11[%get3A_252, %get3A_253] : memref<1x256xf32, #tpu.memory_space<vmem>>, vector<1x256xf32>
      %dot_general3A_255 = arith.constant dense<0.000000e+00> : vector<1x256xf32>
      %dot_general3A_256 = tpu.matmul %broadcast_in_dim3A_89, %convert_element_type3A_232, %dot_general3A_255 {dimension_numbers = #tpu.dot_dimension_numbers<[1], [0], [0], [1], [0, 0, 1, 1], [], []>, transpose_lhs_hint = false} : vector<1x512xf32>, vector<512x256xf32>, vector<1x256xf32> -> vector<1x256xf32>
      %add3A_257 = arith.addf %get3A_254, %dot_general3A_256 : vector<1x256xf32>
      %swap3A_258 = arith.constant 0 : index
      %swap3A_259 = arith.constant 0 : index
      %swap3A_260 = vector.load %arg11[%swap3A_258, %swap3A_259] : memref<1x256xf32, #tpu.memory_space<vmem>>, vector<1x256xf32>
      tpu.vector_store %arg11[%swap3A_258, %swap3A_259], %add3A_257 {strides = array<i32>} : memref<1x256xf32, #tpu.memory_space<vmem>>, vector<1x256xf32>,
      %get3A_261 = arith.constant 0 : index
      %get3A_262 = arith.constant 0 : index
      %get3A_263 = vector.load %arg12[%get3A_261, %get3A_262] : memref<1x256xf32, #tpu.memory_space<vmem>>, vector<1x256xf32>
      %dot_general3A_264 = arith.constant dense<0.000000e+00> : vector<1x256xf32>
      %dot_general3A_265 = tpu.matmul %broadcast_in_dim3A_89, %select_n3A_243, %dot_general3A_264 {dimension_numbers = #tpu.dot_dimension_numbers<[1], [0], [0], [1], [0, 0, 1, 1], [], []>, transpose_lhs_hint = false} : vector<1x512xf32>, vector<512x256xf32>, vector<1x256xf32> -> vector<1x256xf32>
      %add3A_266 = arith.addf %get3A_263, %dot_general3A_265 : vector<1x256xf32>
      %swap3A_267 = arith.constant 0 : index
      %swap3A_268 = arith.constant 0 : index
      %swap3A_269 = vector.load %arg12[%swap3A_267, %swap3A_268] : memref<1x256xf32, #tpu.memory_space<vmem>>, vector<1x256xf32>
      tpu.vector_store %arg12[%swap3A_267, %swap3A_268], %add3A_266 {strides = array<i32>} : memref<1x256xf32, #tpu.memory_space<vmem>>, vector<1x256xf32>,
    } else {
    }
    %lt3A_200 = arith.constant 3840 : i32
    %lt3A_201 = arith.cmpi slt, %reduce_sum3A_69, %lt3A_200 : i32
    %gt3A_202 = arith.constant 3584 : i32
    %gt3A_203 = arith.cmpi sgt, %reduce_sum3A_76, %gt3A_202 : i32
    %and3A_204 = arith.andi %lt3A_201, %gt3A_203 : i1
    %convert_element_type3A_205 = arith.extui %and3A_204 : i1 to i32
    %cond3A_206 = arith.constant 0 : i32
    %cond3A_207 = arith.cmpi ne, %convert_element_type3A_205, %cond3A_206 : i32
    scf.if %cond3A_207 {
      %slice3A = vector.extract_strided_slice %add3A_12 {offsets = [0, 3584], sizes = [512, 256], strides = [1, 1]} : vector<512x4096xf32> to vector<512x256xf32>
      %slice3A_221 = vector.extract_strided_slice %eq3A_26 {offsets = [0, 3584], sizes = [512, 256], strides = [1, 1]} : vector<512x4096xi1> to vector<512x256xi1>
      %gt3A_222 = vector.broadcast %broadcast_in_dim3A_43 : vector<512x1xf32> to vector<512x256xf32>
      %gt3A_223 = arith.cmpf ogt, %slice3A, %gt3A_222 : vector<512x256xf32>
      %and3A_224 = arith.andi %slice3A_221, %gt3A_223 : vector<512x256xi1>
      %slice3A_225 = vector.extract_strided_slice %get3A_80 {offsets = [3584], sizes = [256], strides = [1]} : vector<4096xi32> to vector<256xi32>
      %broadcast_in_dim3A_226 = vector.shape_cast %slice3A_225 : vector<256xi32> to vector<1x256xi32>
      %lt3A_227 = vector.broadcast %broadcast_in_dim3A_87 : vector<512x1xi32> to vector<512x256xi32>
      %lt3A_228 = vector.broadcast %broadcast_in_dim3A_226 : vector<1x256xi32> to vector<512x256xi32>
      %lt3A_229 = arith.cmpi slt, %lt3A_227, %lt3A_228 : vector<512x256xi32>
      %and3A_230 = arith.andi %and3A_224, %lt3A_229 : vector<512x256xi1>
      %convert_element_type3A_231 = arith.extui %and3A_230 : vector<512x256xi1> to vector<512x256xi32>
      %convert_element_type3A_232 = arith.sitofp %convert_element_type3A_231 : vector<512x256xi32> to vector<512x256xf32>
      %add3A_233 = vector.broadcast %broadcast_in_dim3A_47 : vector<512x1xf32> to vector<512x256xf32>
      %add3A_234 = arith.addf %slice3A, %add3A_233 : vector<512x256xf32>
      %max3A_235 = arith.constant 0.000000e+00 : f32
      %max3A_236 = vector.broadcast %max3A_235 : f32 to vector<512x256xf32>
      %max3A_237 = arith.maximumf %add3A_234, %max3A_236 : vector<512x256xf32>
      %mul3A_238 = arith.mulf %convert_element_type3A_232, %max3A_237 : vector<512x256xf32>
      %lt3A_239 = vector.broadcast %broadcast_in_dim3A_48 : vector<512x1xf32> to vector<512x256xf32>
      %lt3A_240 = arith.cmpf olt, %slice3A, %lt3A_239 : vector<512x256xf32>
      %jit3A_241 = arith.constant 0.000000e+00 : f32
      %broadcast_in_dim3A_242 = vector.broadcast %jit3A_241 : f32 to vector<512x256xf32>
      %select_n3A_243 = arith.select %lt3A_240, %convert_element_type3A_232, %broadcast_in_dim3A_242 : vector<512x256xi1>, vector<512x256xf32>
      %get3A_244 = arith.constant 0 : index
      %get3A_245 = arith.constant 0 : index
      %get3A_246 = vector.load %arg10[%get3A_244, %get3A_245] : memref<1x256xf32, #tpu.memory_space<vmem>>, vector<1x256xf32>
      %dot_general3A_247 = arith.constant dense<0.000000e+00> : vector<1x256xf32>
      %dot_general3A_248 = tpu.matmul %broadcast_in_dim3A_89, %mul3A_238, %dot_general3A_247 {dimension_numbers = #tpu.dot_dimension_numbers<[1], [0], [0], [1], [0, 0, 1, 1], [], []>, transpose_lhs_hint = false} : vector<1x512xf32>, vector<512x256xf32>, vector<1x256xf32> -> vector<1x256xf32>
      %add3A_249 = arith.addf %get3A_246, %dot_general3A_248 : vector<1x256xf32>
      %swap3A = arith.constant 0 : index
      %swap3A_250 = arith.constant 0 : index
      %swap3A_251 = vector.load %arg10[%swap3A, %swap3A_250] : memref<1x256xf32, #tpu.memory_space<vmem>>, vector<1x256xf32>
      tpu.vector_store %arg10[%swap3A, %swap3A_250], %add3A_249 {strides = array<i32>} : memref<1x256xf32, #tpu.memory_space<vmem>>, vector<1x256xf32>,
      %get3A_252 = arith.constant 0 : index
      %get3A_253 = arith.constant 0 : index
      %get3A_254 = vector.load %arg11[%get3A_252, %get3A_253] : memref<1x256xf32, #tpu.memory_space<vmem>>, vector<1x256xf32>
      %dot_general3A_255 = arith.constant dense<0.000000e+00> : vector<1x256xf32>
      %dot_general3A_256 = tpu.matmul %broadcast_in_dim3A_89, %convert_element_type3A_232, %dot_general3A_255 {dimension_numbers = #tpu.dot_dimension_numbers<[1], [0], [0], [1], [0, 0, 1, 1], [], []>, transpose_lhs_hint = false} : vector<1x512xf32>, vector<512x256xf32>, vector<1x256xf32> -> vector<1x256xf32>
      %add3A_257 = arith.addf %get3A_254, %dot_general3A_256 : vector<1x256xf32>
      %swap3A_258 = arith.constant 0 : index
      %swap3A_259 = arith.constant 0 : index
      %swap3A_260 = vector.load %arg11[%swap3A_258, %swap3A_259] : memref<1x256xf32, #tpu.memory_space<vmem>>, vector<1x256xf32>
      tpu.vector_store %arg11[%swap3A_258, %swap3A_259], %add3A_257 {strides = array<i32>} : memref<1x256xf32, #tpu.memory_space<vmem>>, vector<1x256xf32>,
      %get3A_261 = arith.constant 0 : index
      %get3A_262 = arith.constant 0 : index
      %get3A_263 = vector.load %arg12[%get3A_261, %get3A_262] : memref<1x256xf32, #tpu.memory_space<vmem>>, vector<1x256xf32>
      %dot_general3A_264 = arith.constant dense<0.000000e+00> : vector<1x256xf32>
      %dot_general3A_265 = tpu.matmul %broadcast_in_dim3A_89, %select_n3A_243, %dot_general3A_264 {dimension_numbers = #tpu.dot_dimension_numbers<[1], [0], [0], [1], [0, 0, 1, 1], [], []>, transpose_lhs_hint = false} : vector<1x512xf32>, vector<512x256xf32>, vector<1x256xf32> -> vector<1x256xf32>
      %add3A_266 = arith.addf %get3A_263, %dot_general3A_265 : vector<1x256xf32>
      %swap3A_267 = arith.constant 0 : index
      %swap3A_268 = arith.constant 0 : index
      %swap3A_269 = vector.load %arg12[%swap3A_267, %swap3A_268] : memref<1x256xf32, #tpu.memory_space<vmem>>, vector<1x256xf32>
      tpu.vector_store %arg12[%swap3A_267, %swap3A_268], %add3A_266 {strides = array<i32>} : memref<1x256xf32, #tpu.memory_space<vmem>>, vector<1x256xf32>,
    } else {
    }
    %lt3A_208 = arith.constant 4096 : i32
    %lt3A_209 = arith.cmpi slt, %reduce_sum3A_69, %lt3A_208 : i32
    %gt3A_210 = arith.constant 3840 : i32
    %gt3A_211 = arith.cmpi sgt, %reduce_sum3A_76, %gt3A_210 : i32
    %and3A_212 = arith.andi %lt3A_209, %gt3A_211 : i1
    %convert_element_type3A_213 = arith.extui %and3A_212 : i1 to i32
    %cond3A_214 = arith.constant 0 : i32
    %cond3A_215 = arith.cmpi ne, %convert_element_type3A_213, %cond3A_214 : i32
    scf.if %cond3A_215 {
      %slice3A = vector.extract_strided_slice %add3A_12 {offsets = [0, 3840], sizes = [512, 256], strides = [1, 1]} : vector<512x4096xf32> to vector<512x256xf32>
      %slice3A_221 = vector.extract_strided_slice %eq3A_26 {offsets = [0, 3840], sizes = [512, 256], strides = [1, 1]} : vector<512x4096xi1> to vector<512x256xi1>
      %gt3A_222 = vector.broadcast %broadcast_in_dim3A_43 : vector<512x1xf32> to vector<512x256xf32>
      %gt3A_223 = arith.cmpf ogt, %slice3A, %gt3A_222 : vector<512x256xf32>
      %and3A_224 = arith.andi %slice3A_221, %gt3A_223 : vector<512x256xi1>
      %slice3A_225 = vector.extract_strided_slice %get3A_80 {offsets = [3840], sizes = [256], strides = [1]} : vector<4096xi32> to vector<256xi32>
      %broadcast_in_dim3A_226 = vector.shape_cast %slice3A_225 : vector<256xi32> to vector<1x256xi32>
      %lt3A_227 = vector.broadcast %broadcast_in_dim3A_87 : vector<512x1xi32> to vector<512x256xi32>
      %lt3A_228 = vector.broadcast %broadcast_in_dim3A_226 : vector<1x256xi32> to vector<512x256xi32>
      %lt3A_229 = arith.cmpi slt, %lt3A_227, %lt3A_228 : vector<512x256xi32>
      %and3A_230 = arith.andi %and3A_224, %lt3A_229 : vector<512x256xi1>
      %convert_element_type3A_231 = arith.extui %and3A_230 : vector<512x256xi1> to vector<512x256xi32>
      %convert_element_type3A_232 = arith.sitofp %convert_element_type3A_231 : vector<512x256xi32> to vector<512x256xf32>
      %add3A_233 = vector.broadcast %broadcast_in_dim3A_47 : vector<512x1xf32> to vector<512x256xf32>
      %add3A_234 = arith.addf %slice3A, %add3A_233 : vector<512x256xf32>
      %max3A_235 = arith.constant 0.000000e+00 : f32
      %max3A_236 = vector.broadcast %max3A_235 : f32 to vector<512x256xf32>
      %max3A_237 = arith.maximumf %add3A_234, %max3A_236 : vector<512x256xf32>
      %mul3A_238 = arith.mulf %convert_element_type3A_232, %max3A_237 : vector<512x256xf32>
      %lt3A_239 = vector.broadcast %broadcast_in_dim3A_48 : vector<512x1xf32> to vector<512x256xf32>
      %lt3A_240 = arith.cmpf olt, %slice3A, %lt3A_239 : vector<512x256xf32>
      %jit3A_241 = arith.constant 0.000000e+00 : f32
      %broadcast_in_dim3A_242 = vector.broadcast %jit3A_241 : f32 to vector<512x256xf32>
      %select_n3A_243 = arith.select %lt3A_240, %convert_element_type3A_232, %broadcast_in_dim3A_242 : vector<512x256xi1>, vector<512x256xf32>
      %get3A_244 = arith.constant 0 : index
      %get3A_245 = arith.constant 0 : index
      %get3A_246 = vector.load %arg10[%get3A_244, %get3A_245] : memref<1x256xf32, #tpu.memory_space<vmem>>, vector<1x256xf32>
      %dot_general3A_247 = arith.constant dense<0.000000e+00> : vector<1x256xf32>
      %dot_general3A_248 = tpu.matmul %broadcast_in_dim3A_89, %mul3A_238, %dot_general3A_247 {dimension_numbers = #tpu.dot_dimension_numbers<[1], [0], [0], [1], [0, 0, 1, 1], [], []>, transpose_lhs_hint = false} : vector<1x512xf32>, vector<512x256xf32>, vector<1x256xf32> -> vector<1x256xf32>
      %add3A_249 = arith.addf %get3A_246, %dot_general3A_248 : vector<1x256xf32>
      %swap3A = arith.constant 0 : index
      %swap3A_250 = arith.constant 0 : index
      %swap3A_251 = vector.load %arg10[%swap3A, %swap3A_250] : memref<1x256xf32, #tpu.memory_space<vmem>>, vector<1x256xf32>
      tpu.vector_store %arg10[%swap3A, %swap3A_250], %add3A_249 {strides = array<i32>} : memref<1x256xf32, #tpu.memory_space<vmem>>, vector<1x256xf32>,
      %get3A_252 = arith.constant 0 : index
      %get3A_253 = arith.constant 0 : index
      %get3A_254 = vector.load %arg11[%get3A_252, %get3A_253] : memref<1x256xf32, #tpu.memory_space<vmem>>, vector<1x256xf32>
      %dot_general3A_255 = arith.constant dense<0.000000e+00> : vector<1x256xf32>
      %dot_general3A_256 = tpu.matmul %broadcast_in_dim3A_89, %convert_element_type3A_232, %dot_general3A_255 {dimension_numbers = #tpu.dot_dimension_numbers<[1], [0], [0], [1], [0, 0, 1, 1], [], []>, transpose_lhs_hint = false} : vector<1x512xf32>, vector<512x256xf32>, vector<1x256xf32> -> vector<1x256xf32>
      %add3A_257 = arith.addf %get3A_254, %dot_general3A_256 : vector<1x256xf32>
      %swap3A_258 = arith.constant 0 : index
      %swap3A_259 = arith.constant 0 : index
      %swap3A_260 = vector.load %arg11[%swap3A_258, %swap3A_259] : memref<1x256xf32, #tpu.memory_space<vmem>>, vector<1x256xf32>
      tpu.vector_store %arg11[%swap3A_258, %swap3A_259], %add3A_257 {strides = array<i32>} : memref<1x256xf32, #tpu.memory_space<vmem>>, vector<1x256xf32>,
      %get3A_261 = arith.constant 0 : index
      %get3A_262 = arith.constant 0 : index
      %get3A_263 = vector.load %arg12[%get3A_261, %get3A_262] : memref<1x256xf32, #tpu.memory_space<vmem>>, vector<1x256xf32>
      %dot_general3A_264 = arith.constant dense<0.000000e+00> : vector<1x256xf32>
      %dot_general3A_265 = tpu.matmul %broadcast_in_dim3A_89, %select_n3A_243, %dot_general3A_264 {dimension_numbers = #tpu.dot_dimension_numbers<[1], [0], [0], [1], [0, 0, 1, 1], [], []>, transpose_lhs_hint = false} : vector<1x512xf32>, vector<512x256xf32>, vector<1x256xf32> -> vector<1x256xf32>
      %add3A_266 = arith.addf %get3A_263, %dot_general3A_265 : vector<1x256xf32>
      %swap3A_267 = arith.constant 0 : index
      %swap3A_268 = arith.constant 0 : index
      %swap3A_269 = vector.load %arg12[%swap3A_267, %swap3A_268] : memref<1x256xf32, #tpu.memory_space<vmem>>, vector<1x256xf32>
      tpu.vector_store %arg12[%swap3A_267, %swap3A_268], %add3A_266 {strides = array<i32>} : memref<1x256xf32, #tpu.memory_space<vmem>>, vector<1x256xf32>,
    } else {
    }
    %eq3A_216 = arith.constant 7 : i32
    %eq3A_217 = arith.cmpi eq, %arg0, %eq3A_216 : i32
    %convert_element_type3A_218 = arith.extui %eq3A_217 : i1 to i32
    %cond3A_219 = arith.constant 0 : i32
    %cond3A_220 = arith.cmpi ne, %convert_element_type3A_218, %cond3A_219 : i32
    scf.if %cond3A_220 {
      %get3A_221 = arith.constant 0 : index
      %get3A_222 = arith.constant 0 : index
      %get3A_223 = vector.load %arg10[%get3A_221, %get3A_222] : memref<1x256xf32, #tpu.memory_space<vmem>>, vector<1x256xf32>
      %reduce_sum3A_224 = vector.shape_cast %get3A_223 : vector<1x256xf32> to vector<1x1x256xf32>
      %reduce_sum3A_225 = arith.constant dense<0.000000e+00> : vector<1xf32>
      %reduce_sum3A_226 = vector.multi_reduction <add>, %reduce_sum3A_224, %reduce_sum3A_225 [1, 2] : vector<1x1x256xf32> to vector<1xf32>
      %reduce_sum3A_227 = vector.shape_cast %reduce_sum3A_226 : vector<1xf32> to vector<1x1x1xf32>
      %reduce_sum3A_228 = vector.extract %reduce_sum3A_227[0, 0, 0] : f32 from vector<1x1x1xf32>
      %reshape3A = vector.broadcast %reduce_sum3A_228 : f32 to vector<1x1xf32>
      %swap3A = arith.constant 0 : index
      %swap3A_229 = arith.constant 0 : index
      %swap3A_230 = vector.load %arg5[%swap3A, %swap3A_229] : memref<1x1xf32, #tpu.memory_space<vmem>>, vector<1x1xf32>
      tpu.vector_store %arg5[%swap3A, %swap3A_229], %reshape3A {strides = array<i32>} : memref<1x1xf32, #tpu.memory_space<vmem>>, vector<1x1xf32>,
      %get3A_231 = arith.constant 0 : index
      %get3A_232 = arith.constant 0 : index
      %get3A_233 = vector.load %arg11[%get3A_231, %get3A_232] : memref<1x256xf32, #tpu.memory_space<vmem>>, vector<1x256xf32>
      %reduce_sum3A_234 = vector.shape_cast %get3A_233 : vector<1x256xf32> to vector<1x1x256xf32>
      %reduce_sum3A_235 = arith.constant dense<0.000000e+00> : vector<1xf32>
      %reduce_sum3A_236 = vector.multi_reduction <add>, %reduce_sum3A_234, %reduce_sum3A_235 [1, 2] : vector<1x1x256xf32> to vector<1xf32>
      %reduce_sum3A_237 = vector.shape_cast %reduce_sum3A_236 : vector<1xf32> to vector<1x1x1xf32>
      %reduce_sum3A_238 = vector.extract %reduce_sum3A_237[0, 0, 0] : f32 from vector<1x1x1xf32>
      %reshape3A_239 = vector.broadcast %reduce_sum3A_238 : f32 to vector<1x1xf32>
      %swap3A_240 = arith.constant 0 : index
      %swap3A_241 = arith.constant 0 : index
      %swap3A_242 = vector.load %arg6[%swap3A_240, %swap3A_241] : memref<1x1xf32, #tpu.memory_space<vmem>>, vector<1x1xf32>
      tpu.vector_store %arg6[%swap3A_240, %swap3A_241], %reshape3A_239 {strides = array<i32>} : memref<1x1xf32, #tpu.memory_space<vmem>>, vector<1x1xf32>,
      %get3A_243 = arith.constant 0 : index
      %get3A_244 = arith.constant 0 : index
      %get3A_245 = vector.load %arg12[%get3A_243, %get3A_244] : memref<1x256xf32, #tpu.memory_space<vmem>>, vector<1x256xf32>
      %reduce_sum3A_246 = vector.shape_cast %get3A_245 : vector<1x256xf32> to vector<1x1x256xf32>
      %reduce_sum3A_247 = arith.constant dense<0.000000e+00> : vector<1xf32>
      %reduce_sum3A_248 = vector.multi_reduction <add>, %reduce_sum3A_246, %reduce_sum3A_247 [1, 2] : vector<1x1x256xf32> to vector<1xf32>
      %reduce_sum3A_249 = vector.shape_cast %reduce_sum3A_248 : vector<1xf32> to vector<1x1x1xf32>
      %reduce_sum3A_250 = vector.extract %reduce_sum3A_249[0, 0, 0] : f32 from vector<1x1x1xf32>
      %reshape3A_251 = vector.broadcast %reduce_sum3A_250 : f32 to vector<1x1xf32>
      %swap3A_252 = arith.constant 0 : index
      %swap3A_253 = arith.constant 0 : index
      %swap3A_254 = vector.load %arg7[%swap3A_252, %swap3A_253] : memref<1x1xf32, #tpu.memory_space<vmem>>, vector<1x1xf32>
      tpu.vector_store %arg7[%swap3A_252, %swap3A_253], %reshape3A_251 {strides = array<i32>} : memref<1x1xf32, #tpu.memory_space<vmem>>, vector<1x1xf32>,
    } else {
    }
    return
  }
  func.func @transform_0(%arg0: i32) -> (i32, i32) {
    %c0_i32 = arith.constant 0 : i32
    %c0_i32_0 = arith.constant 0 : i32
    return %arg0, %c0_i32 : i32, i32
  }
  func.func @transform_1(%arg0: i32) -> (i32, i32) {
    %c0_i32 = arith.constant 0 : i32
    %c0_i32_0 = arith.constant 0 : i32
    %c0_i32_1 = arith.constant 0 : i32
    return %c0_i32, %c0_i32_0 : i32, i32
  }
  func.func @transform_2(%arg0: i32) -> (i32, i32) {
    %c0_i32 = arith.constant 0 : i32
    %c0_i32_0 = arith.constant 0 : i32
    %c0_i32_1 = arith.constant 0 : i32
    return %c0_i32, %c0_i32_0 : i32, i32
  }
  func.func @transform_3(%arg0: i32) -> (i32, i32) {
    %c0_i32 = arith.constant 0 : i32
    %c0_i32_0 = arith.constant 0 : i32
    %c0_i32_1 = arith.constant 0 : i32
    return %c0_i32, %c0_i32_0 : i32, i32
  }
  func.func @transform_4(%arg0: i32) -> (i32, i32) {
    %c0_i32 = arith.constant 0 : i32
    %c0_i32_0 = arith.constant 0 : i32
    %c0_i32_1 = arith.constant 0 : i32
    return %c0_i32, %c0_i32_0 : i32, i32
  }
  func.func @transform_5(%arg0: i32) -> (i32, i32) {
    %c0_i32 = arith.constant 0 : i32
    %c0_i32_0 = arith.constant 0 : i32
    %c0_i32_1 = arith.constant 0 : i32
    return %c0_i32, %c0_i32_0 : i32, i32
  }
  func.func @transform_6(%arg0: i32) -> (i32, i32) {
    %c0_i32 = arith.constant 0 : i32
    %c0_i32_0 = arith.constant 0 : i32
    %c0_i32_1 = arith.constant 0 : i32
    return %c0_i32, %c0_i32_0 : i32, i32
  }
}

</mosaic_0001>

<sc_bundles>
// kernel: gather_offload_async_start.1
scs
__scs_entry_jumppad:
0x0: {  	(pc) =	sbr.rel $0x88, $3  }
0x1: {  	(tag) =	ssettag $0x0;
	lr =	simm.s32 $0x1  }
0x2: {  	[smem:$0x3F9F] =	sst lr;
	_ =	strace $0xD0000000  }
0x3: {  	_ = 	snop  }
0x4: {  	_ = 	snop  }
0x5: {  	_ = 	snop  }
0x6: {  	_ = 	snop  }
0x7: {  	_ = 	snop  }
__scs_overlays_trampoline_lowered:
0x8: {  	[smem:$0x3FAE] =	sst s0  }
0x9: {  	[smem:$0x3FAF] =	sst s1  }
0xa: {  	[smem:$0x3FB0] =	sst s2  }
0xb: {  	[smem:$0x3FB1] =	sst s3  }
0xc: {  	[smem:$0x3FB2] =	sst s4  }
0xd: {  	[smem:$0x3FB3] =	sst s5  }
0xe: {  	[smem:$0x3FB4] =	sst s6  }
0xf: {  	[smem:$0x3FB5] =	sst s7  }
0x10: {  	[smem:$0x3FB6] =	sst s8  }
0x11: {  	[smem:$0x3FB7] =	sst s9;
	s0 =	simm.s32 @!p0 $0x0  }
0x12: {  	s1 =	sld [smem:$0x3F9D];
	s0 =	simm.s32 @p0 $0x1  }
0x13: {  	[smem:$0x3FB8] =	sst s0;
	s0 =	simm.s32 @!p1 $0x0  }
0x14: {  	s2 =	sld [smem:$0x3F9C];
	s0 =	simm.s32 @p1 $0x1  }
0x15: {  	[smem:$0x3FB9] =	sst s0;
	s0 =	simm.s32 @!p2 $0x0  }
0x16: {  	s3 =	sld [smem:$0x3FDB];
	s0 =	simm.s32 @p2 $0x1  }
0x17: {  	s4 =	simm.s32 $0x1BF5;
	[smem:$0x3FBB] =	sst s0  }
0x18: {  	s0 =	sld [smem:$0x3F9E];
	_ =	swait.ge [sflag:s4], $0x0  }
0x19: {  	s7 =	sld [smem:$0x3F9F]  }
0x1a: {  	s8 =	sadd.s32 $0xFFFFE003, lr  }
0x1b: {  	s9 =	sadd.s32 $0xFFFFFEF7, lr;
	s5 =	simm.s32 $0xFFFFFFFF;
	p2 =	slt.u32 s8, $0xFFFFF086  }
0x1c: {  	p1 =	slt.u32 s9, $0xF7A;
	s5 =	simm.s32 @!p2 $0x0  }
0x1d: {  	s5 =	simm.s32 @p1 $0x1;
	p0 =	seq.s32 s7, s2  }
0x1e: {  	s7 =	smul.u32 @!p0 $0xF7A, s2;
	p2 =	seq.s32 @!p0 s5, $0x0  }
0x1f: {  	s9 =	smul.u32 $0xF7A, s1;
	s8 =	simm.s32 @!p0 $0x1BF5;
	p2 =	por !p2, p0  }
0x20: {  	[sflag:s8] =	ssyncset.s32 @!p0 $0xFFFFF086;
	s6 =	sadd.s32 @!p0 s3, s7;
	s7 =	simm.s32 @!p0 $0x108  }
0x21: {  	s3 =	sadd.s32 s3, s9;
	s6 =	sadd.s32 @!p0 $0x88, s6;
	s7 =	simm.s32 @p2 $0x1082  }
0x22: {  	[simem:s7], [sflag:s8] =	dma.local @!p0 [hbm:s6], $0xF7A  }
0x23: {  	s9 =	sor.u32 $0xD0000000, s2;
	s6 =	simm.s32 $0x108;
	_ =	swait.ge @!p0 [sflag:s8], $0x0  }
0x24: {  	s3 =	sadd.s32 $0x88, s3;
	s6 =	simm.s32 @!p1 $0x1082;
	[sflag:s4] =	ssyncset.s32 $0xFFFFF086  }
0x25: {  	[simem:s6], [sflag:s4] =	dma.local [hbm:s3], $0xF7A  }
0x26: {  	[smem:$0x3F9F] =	sst s1;
	(tag) =	ssettag s2;
	_ =	strace s9  }
0x27: {  	s1 =	sld [smem:$0x3FAF]  }
0x28: {  	s2 =	sld [smem:$0x3FB0]  }
0x29: {  	s4 =	sld [smem:$0x3FB2]  }
0x2a: {  	p0 =	seq.s32 s5, $0x0;
	s5 =	sld [smem:$0x3FB3]  }
0x2b: {  	s6 =	sld [smem:$0x3FB4]  }
0x2c: {  	s7 =	sld [smem:$0x3FB5]  }
0x2d: {  	s3 =	simm.s32 $0x108;
	s8 =	sld [smem:$0x3FB6]  }
0x2e: {  	s3 =	simm.s32 @!p0 $0x1082;
	s9 =	sld [smem:$0x3FB7]  }
0x2f: {  	lr =	sadd.s32 s0, s3;
	s0 =	sld [smem:$0x3FAE]  }
0x30: {  	s3 =	sld [smem:$0x3FB1]  }
0x31: {  	[smem:$0x3FBA] =	sst s10  }
0x32: {  	s10 =	sld [smem:$0x3FB8];
	_ =	sdelay $0x3  }
0x33: {  	p0 =	seq.s32 s10, $0x1;
	s10 =	sld [smem:$0x3FBA];
	_ =	sdelay $0x3  }
0x34: {  	[smem:$0x3FBA] =	sst s10  }
0x35: {  	s10 =	sld [smem:$0x3FB9];
	_ =	sdelay $0x3  }
0x36: {  	p1 =	seq.s32 s10, $0x1;
	s10 =	sld [smem:$0x3FBA];
	_ =	sdelay $0x3  }
0x37: {  	[smem:$0x3FBA] =	sst s10  }
0x38: {  	s10 =	sld [smem:$0x3FBB]  }
0x39: {  	_ = 	snop;
	(pc) =	sbr.ind lr, $3  }
0x3a: {  	_ = 	snop  }
0x3b: {  	_ = 	snop  }
0x3c: {  	p2 =	seq.s32 s10, $0x1;
	s10 =	sld [smem:$0x3FBA]  }
0x3d: {  	_ =	shalt  }
0x3e: {  	_ =	shalt  }
0x3f: {  	_ =	shalt  }
0x40: {  	_ =	shalt  }
0x41: {  	_ =	shalt  }
0x42: {  	_ =	shalt  }
0x43: {  	_ =	shalt  }
0x44: {  	_ =	shalt  }
0x45: {  	_ =	shalt  }
0x46: {  	_ =	shalt  }
0x47: {  	_ =	shalt  }
0x48: {  	_ =	shalt  }
0x49: {  	_ =	shalt  }
0x4a: {  	_ =	shalt  }
0x4b: {  	_ =	shalt  }
0x4c: {  	_ =	shalt  }
0x4d: {  	_ =	shalt  }
0x4e: {  	_ =	shalt  }
0x4f: {  	_ =	shalt  }
0x50: {  	_ =	shalt  }
0x51: {  	_ =	shalt  }
0x52: {  	_ =	shalt  }
0x53: {  	_ =	shalt  }
0x54: {  	_ =	shalt  }
0x55: {  	_ =	shalt  }
0x56: {  	_ =	shalt  }
0x57: {  	_ =	shalt  }
0x58: {  	_ =	shalt  }
0x59: {  	_ =	shalt  }
0x5a: {  	_ =	shalt  }
0x5b: {  	_ =	shalt  }
0x5c: {  	_ =	shalt  }
0x5d: {  	_ =	shalt  }
0x5e: {  	_ =	shalt  }
0x5f: {  	_ =	shalt  }
0x60: {  	_ =	shalt  }
0x61: {  	_ =	shalt  }
0x62: {  	_ =	shalt  }
0x63: {  	_ =	shalt  }
0x64: {  	_ =	shalt  }
0x65: {  	_ =	shalt  }
0x66: {  	_ =	shalt  }
0x67: {  	_ =	shalt  }
0x68: {  	_ =	shalt  }
0x69: {  	_ =	shalt  }
0x6a: {  	_ =	shalt  }
0x6b: {  	_ =	shalt  }
0x6c: {  	_ =	shalt  }
0x6d: {  	_ =	shalt  }
0x6e: {  	_ =	shalt  }
0x6f: {  	_ =	shalt  }
0x70: {  	_ =	shalt  }
0x71: {  	_ =	shalt  }
0x72: {  	_ =	shalt  }
0x73: {  	_ =	shalt  }
0x74: {  	_ =	shalt  }
0x75: {  	_ =	shalt  }
0x76: {  	_ =	shalt  }
0x77: {  	_ =	shalt  }
0x78: {  	_ =	shalt  }
0x79: {  	_ =	shalt  }
0x7a: {  	_ =	shalt  }
0x7b: {  	_ =	shalt  }
0x7c: {  	_ =	shalt  }
0x7d: {  	_ =	shalt  }
0x7e: {  	_ =	shalt  }
0x7f: {  	_ =	shalt  }
0x80: {  	_ =	shalt  }
0x81: {  	_ =	shalt  }
0x82: {  	_ =	shalt  }
0x83: {  	_ =	shalt  }
0x84: {  	_ =	shalt  }
0x85: {  	_ =	shalt  }
0x86: {  	_ =	shalt  }
0x87: {  	_ =	shalt  }
.Lfunc_end0:
.L_simem_size_0:
called_computation.1_lowered:
.L_overlay_start_0:
0x88: {  	s2 =	sld [smem:$0x3FD9]  }
0x89: {  	s3 =	sld [smem:$0x3FFE];
	_ =	sdelay $0x1  }
0x8a: {  	s1 =	srdreg.scid  }
0x8b: {  	s0 =	sand.u32 $0x1, s1  }
0x8c: {  	s17 =	sshll.u32 s0, $0xA;
	s2 =	sadd.s32 s3, s2  }
0x8d: {  	s2 =	sadd.s32 s2, s17  }
0x8e: {  	[smem:$0x3FC6] =	sst s2  }
0x8f: {  	_ = 	snop  }
0x90: {  	s18 =	sld [smem:$0x3FC9];
	(tm) =	ssettm $0x1  }
0x91: {  	s19 =	sld [smem:$0x3FFB];
	_ =	sdelay $0x3  }
0x92: {  	_ =	strace s19  }
0x93: {  	s2 =	sld [smem:$0x3FFC];
	_ =	sdelay $0x3  }
0x94: {  	_ =	strace s2  }
0x95: {  	s2 =	sld [smem:$0x3FFD];
	_ =	sdelay $0x3  }
0x96: {  	_ =	strace s2  }
0x97: {  	_ =	strace $0x8FFFFFFF  }
0x98: {  	s20 =	sld [smem:$0x3FDB];
	_ =	sdelay $0x1  }
0x99: {  	s4 =	simm.s32 $_scs_section_size  }
0x9a: {  	s5 =	simm.s32 $_size__tile_overlayer_lowered;
	s6 =	simm.s32 $_tile_overlayer_lowered  }
0x9b: {  	s7 =	simm.s32 $0x1BFF;
	s21 =	sshll.u32 s6, $0x1;
	s4 =	sadd.s32 s4, s20  }
0x9c: {  	s22 =	simm.s32 $0x0;
	s5 =	sshll.u32 s5, $0x1;
	s6 =	sadd.s32 s21, s4  }
0x9d: {  	[timem:s22], [sflag:s7] =	dma.local [hbm:s6], s5  }
0x9e: {  	_ =	swait.ge [sflag:s7], s5  }
0x9f: {  	s5 =	ssub.s32 $0x0, s5;
	[sflag:s7] =	ssyncset.done $0x0  }
0xa0: {  	[sflag:s7] =	ssyncadd.s32 s5;
	_ =	sdelay $0x1  }
0xa1: {  	s23 =	simm.s32 $0x1B8B  }
0xa2: {  	_ =	swait.ge [sflag:s23], $0x1  }
0xa3: {  	[sflag:s23] =	ssyncset.done $0x0  }
0xa4: {  	[sflag:s23] =	ssyncadd.s32 $0xFFFFFFFF  }
0xa5: {  	s5 =	sld [smem:$0x0]  }
0xa6: {  	s6 =	sand.u32 $0xFFFFFFFE, s1  }
0xa7: {  	p0 =	sne.s32 s1, s6  }
0xa8: {  	s6 =	sshll.u32 @p0 s6, $0xE  }
0xa9: {  	s6 =	sadd.s32 @p0 $0x11B8D, s6;
	s7 =	sshll.u32 @p0 s5, $0x11  }
0xaa: {  	s6 =	sor.u32 @p0 s7, s6  }
0xab: {  	[sflag:s6] =	ssyncadd.remote.s32 @p0 $0x1;
	_ =	sdelay $0x1  }
0xac: {  	s6 =	simm.s32 @p0 $0x1B8D  }
0xad: {  	_ =	swait.eq @p0 [sflag:s6], $0x1  }
0xae: {  	[sflag:s6] =	ssyncadd.s32 @p0 $0xFFFFFFFF  }
0xaf: {  	s7 =	sshll.u32 @!p0 s1, $0xE  }
0xb0: {  	s7 =	sor.u32 @!p0 $0x4000, s7;
	s6 =	simm.s32 @!p0 $0x1B8D  }
0xb1: {  	s5 =	sshll.u32 @!p0 s5, $0x11;
	s7 =	sadd.s32 @!p0 $0x11B8D, s7;
	_ =	swait.eq @!p0 [sflag:s6], $0x1  }
0xb2: {  	s5 =	sor.u32 @!p0 s5, s7;
	[sflag:s6] =	ssyncadd.s32 @!p0 $0xFFFFFFFF  }
0xb3: {  	s25 =	simm.s32 $0x1B8E;
	s24 =	sld [smem:$0x3FFE];
	[sflag:s5] =	ssyncadd.remote.s32 @!p0 $0x1  }
0xb4: {  	s26 =	simm.s32 $execute0_lowered;
	[smem:$0x3FD2] =	sst s25  }
0xb5: {  	s6 =	sshll.u32 s26, $0x1;
	_ =	strace $0x80000049;
	[dreg:$0x1] =	wrdreg $0xFFFFFFFF  }
0xb6: {  	s28 =	simm.s32 $_size_execute0_lowered;
	s4 =	sadd.s32 s4, s6;
	[dreg:$0x0] =	wrdreg $0x0  }
0xb7: {  	s6 =	sshll.u32 s28, $0x1;
	[dreg:$0x2] =	wrdreg s4  }
0xb8: {  	[dreg:$0x3] =	wrdreg s6  }
0xb9: {  	[dreg:$0x4] =	wrdreg $0xC0  }
0xba: {  	_ =	task [dreg:s22], $0x5FFFF  }
0xbb: {  	[dreg:$0x1] =	wrdreg $0xFFFFFFFF  }
0xbc: {  	[dreg:$0x0] =	wrdreg $0x60  }
0xbd: {  	[dreg:$0x2] =	wrdreg s18  }
0xbe: {  	[dreg:$0x3] =	wrdreg s24  }
0xbf: {  	[dreg:$0x4] =	wrdreg $0xA  }
0xc0: {  	_ =	task.clear_ibuf [dreg:s22], $0x5FFFF;
	_ =	strace $0x90000049  }
0xc1: {  	s29 =	simm.s32 $0xA;
	_ =	strace $0x8000004B  }
0xc2: {  	_ =	swait.ge [sflag:s29], $0x1  }
0xc3: {  	[sflag:s29] =	ssyncadd.s32 $0xFFFFFFFF  }
0xc4: {  	_ =	strace $0x9000004B  }
0xc5: {  	_ =	sfence  }
0xc6: {  	s30 =	sld [smem:$0x0];
	_ =	sdelay $0x2  }
0xc7: {  	s31 =	sshll.u32 s1, $0xD;
	s1 =	sshrl.u32 s1, $0x2  }
0xc8: {  	s4 =	sand.u32 $0x4000, s31;
	s1 =	sadd.s32 s1, s30  }
0xc9: {  	s0 =	sor.u32 s4, s0;
	s1 =	sshll.u32 s1, $0x11  }
0xca: {  	s0 =	sor.u32 s1, s0  }
0xcb: {  	s0 =	sadd.s32 $0x8F2B, s0  }
0xcc: {  	[sflag:s0] =	ssyncadd.remote.s32 $0x1  }
0xcd: {  	_ =	sfence.sel $0xFFFF  }
0xce: {  	[dreg:$0x0] =	wrdreg $0xFFFFFFFF;
	(pc) =	sbr.abs _section_cstart, $3  }
0xcf: {  	[dreg:$0x1] =	wrdreg $0xFFFFFFFF  }
0xd0: {  	_ =	task.clear_ibuf [dreg:s22], $0x2FFFF;
	_ =	strace $0x9FFFFFFF  }
0xd1: {  	(tm) =	ssettm $0x7FFFFFFF  }
tec
execute0_lowered:
.L_overlay_start_1:
0x0: {  	(tag) =	ssettag $0x1  }
0x1: {  	s2 =	rddreg [dreg:$0x0]  }
0x2: {  	s3 =	rddreg [dreg:$0x1]  }
0x3: {  	s0 =	rddreg [dreg:$0x2];
	s1 =	srdreg.scid;
	_ =	strace $0x8000004A  }
0x4: {  	s4 =	simm.s32 $0x1;
	s9 =	simm.s32 $0x3;
	s5 =	sshll.u32 s1, $0x4  }
.Ltmp0:
0x5: {  	s1 =	stileid.u32;
	s5 =	sand.u32 $0x10, s5;
	(pc) =	sbr.rel .LBB2_1-.Ltmp0, $4  }
0x6: {  	s12 =	simm.s32 $0x0;
	s10 =	simm.s32 $0x0;
	s6 =	sor.u32 s1, s5  }
0x7: {  	[sflag:s4] =	ssyncpa.u1 $0x0;
	s5 =	simm.s32 $0x2;
	s6 =	sshll.u32 s6, $0x7  }
0x8: {  	s7 =	sadd.s32 $0x400, s3;
	[sflag:s5] =	ssyncpa.u1 $0x0;
	s8 =	sadd.s32 $0x80, s6  }
0x9: {  	vm0 =	vmmov $0xff;
	vm1 =	vcmask $0x3F20;
	[sflag:s9] =	ssyncpa.u1 $0x0;
	s9 =	simm.s32 $0x80;
	s11 =	smov.u32 s6  }
.LBB2_9:
0xa: {  	p0 =	seq.s32 s10, $0x2  }
.Ltmp1:
0xb: {  	_ = 	snop;
	(pc) =	sbr.rel @p0 .LBB2_11-.Ltmp1, $1  }
0xc: {  	_ =	sdelay $0x3  }
.LBB2_10:
0xd: {  	s12 =	sadd.s32 $0x80, s11  }
0xe: {  	s13 =	smov.u32 s6;
	p0 =	slt.s32 s12, s8  }
0xf: {  	s13 =	smov.u32 @p0 s12  }
0x10: {  	s10 =	sadd.s32 $0x1, s10;
	s12 =	smov.u32 s11;
	s11 =	smov.u32 s13  }
.LBB2_1:
0x11: {  	p0 =	sne.s32 s10, $0x0  }
.Ltmp2:
0x12: {  	_ = 	snop;
	(pc) =	sbr.rel @!p0 .LBB2_2-.Ltmp2, $1  }
0x13: {  	_ =	sdelay $0x3  }
0x14: {  	s13 =	sand.u32 $0x1, s10  }
0x15: {  	p0 =	seq.s32 s13, $0x0  }
.Ltmp3:
0x16: {  	_ = 	snop;
	(pc) =	sbr.rel @p0 .LBB2_9-.Ltmp3, $1  }
0x17: {  	_ =	sdelay $0x3  }
0x18: {  	_ =	swait.ge [sflag:s5], $0x80  }
0x19: {  	[sflag:s5] =	ssyncset.done $0x0  }
0x1a: {  	s13 =	simm.s32 $0x0;
	[sflag:s5] =	ssyncadd.s32 $0xFFFFFF80  }
0x1b: {  	v0 =	vld.msk [tilespmem:s13+$0x80 ss:$0x1], $0xffff;
	_ =	sdelay $0x4  }
0x1c: {  	vm2 =	vgt.s32 v0, $0x0  }
0x1d: {  	v0 =	vnsel vm2, $0x0, v0  }
0x1e: {  	v0 =	vmin.u32 v0, $0xFFF  }
0x1f: {  	v0 =	vshll.u32 v0, $0x4;
	_ =	sdelay $0x3  }
0x20: {  	s13 =	simm.s32 $0x4100  }
0x21: {  	[tilespmem:s13], [sflag:$0x1] =	stream.indirect_vreg.gather [hbm:s2], $0x80, v0, vm0, $0x38;
	[tilespmem:$0x8100] =	vst v63  }
0x22: {  	s14 =	simm.s32 $0x4500;
	s31 =	simm.s32 $0x10  }
0x23: {  	[tilespmem:s14], [sflag:$0x1] =	stream.indirect_vreg.gather [hbm:s2], $0x80, v0, vm1, $0x38;
	[tilespmem:$0x8100] =	vst v63  }
0x24: {  	s14 =	simm.s32 $0x80;
	v0 =	vld.msk [tilespmem:s31+$0x80 ss:$0x1], $0xffff  }
.LBB2_5:
0x25: {  	p0 =	sne.s32 s14, $0x1C0;
	_ =	sdelay $0x4  }
0x26: {  	vm2 =	vgt.s32 v0, $0x0  }
0x27: {  	v0 =	vnsel vm2, $0x0, v0  }
0x28: {  	v0 =	vmin.u32 v0, $0xFFF  }
0x29: {  	v0 =	vshll.u32 v0, $0x4;
	_ =	sdelay $0x3  }
.Ltmp4:
0x2a: {  	s13 =	sadd.s32 $0x800, s13;
	(pc) =	sbr.rel @p0 .LBB2_5-.Ltmp4, $4  }
0x2b: {  	[tilespmem:s13], [sflag:$0x1] =	stream.indirect_vreg.gather [hbm:s2], $0x80, v0, vm0, $0x38;
	[tilespmem:$0x8100] =	vst v63  }
0x2c: {  	s15 =	sshra.s32 s14, $0x2;
	s16 =	sadd.s32 $0x400, s13  }
0x2d: {  	[tilespmem:s16], [sflag:$0x1] =	stream.indirect_vreg.gather [hbm:s2], $0x80, v0, vm1, $0x38;
	[tilespmem:$0x8100] =	vst v63  }
0x2e: {  	s14 =	sadd.s32 $0x40, s14;
	v0 =	vld.msk [tilespmem:s15+$0x80 ss:$0x1], $0xffff  }
0x2f: {  	_ =	sdelay $0x3  }
0x30: {  	vm2 =	vgt.s32 v0, $0x0  }
0x31: {  	v0 =	vnsel vm2, $0x0, v0  }
0x32: {  	v0 =	vmin.u32 v0, $0xFFF  }
0x33: {  	v0 =	vshll.u32 v0, $0x4;
	_ =	sdelay $0x3  }
0x34: {  	s13 =	sadd.s32 $0x800, s13  }
0x35: {  	[tilespmem:s13], [sflag:$0x1] =	stream.indirect_vreg.gather [hbm:s2], $0x80, v0, vm0, $0x38;
	[tilespmem:$0x8100] =	vst v63  }
0x36: {  	s13 =	sadd.s32 $0x400, s13  }
0x37: {  	[tilespmem:s13], [sflag:$0x1] =	stream.indirect_vreg.gather [hbm:s2], $0x80, v0, vm1, $0x38;
	[tilespmem:$0x8100] =	vst v63  }
0x38: {  	s12 =	sshll.u32 s12, $0x4;
	s14 =	simm.s32 $0x80;
	_ =	swait.ge [sflag:s4], $0x4000  }
0x39: {  	s15 =	simm.s32 $0x4500;
	s12 =	sadd.s32 s12, s7;
	[sflag:s4] =	ssyncset.done $0x0  }
0x3a: {  	s16 =	sadd.s32 $0x0, s12;
	s13 =	simm.s32 $0x4100;
	[sflag:s4] =	ssyncadd.s32 $0xFFFFC000  }
.LBB2_7:
0x3b: {  	[hbm:s16] =	stream.linear.scatter [tilespmem:s13], [sflag:$0x3], $0x400, $0x38;
	[tilespmem:$0x8100] =	vst v63  }
0x3c: {  	s16 =	smov.u32 s14;
	s13 =	smov.u32 s15;
	p0 =	sne.s32 s14, $0x780  }
.Ltmp5:
0x3d: {  	s14 =	sadd.s32 $0x80, s14;
	(pc) =	sbr.rel @p0 .LBB2_7-.Ltmp5, $2  }
0x3e: {  	_ =	sdelay $0x2  }
0x3f: {  	s15 =	sadd.s32 $0x400, s15;
	s16 =	sadd.s32 s16, s12  }
.Ltmp6:
0x40: {  	(pc) =	sbr.rel .LBB2_9-.Ltmp6, $2  }
0x41: {  	_ =	sdelay $0x2  }
0x42: {  	[hbm:s16] =	stream.linear.scatter [tilespmem:s13], [sflag:$0x3], $0x400, $0x38;
	[tilespmem:$0x8100] =	vst v63  }
.LBB2_2:
.Ltmp7:
0x43: {  	(pc) =	sbr.rel .LBB2_10-.Ltmp7, $4  }
0x44: {  	_ = 	snop  }
0x45: {  	s12 =	sshrl.u32 s11, $0x3  }
0x46: {  	s13 =	sand.u32 $0x7, s11;
	s12 =	sadd.s32 s3, s12  }
0x47: {  	[tilespmem:s9], [sflag:$0x2] =	stream.linear.gather [hbm4b:s12+s13], $0x80, $0x38;
	[tilespmem:$0x8100] =	vst v63  }
.LBB2_11:
0x48: {  	s2 =	simm.s32 $0x3  }
0x49: {  	_ =	swait.ge [sflag:s2], $0x4000  }
0x4a: {  	[sflag:s2] =	ssyncset.done $0x0  }
0x4b: {  	[sflag:s2] =	ssyncadd.s32 $0xFFFFC000  }
0x4c: {  	_ =	sfence.sel $0x180000  }
0x4d: {  	s3 =	simm.s32 $0x2;
	[bflag:$0x0] =	sbarrier.arrive $0xFFFF  }
0x4e: {  	[sflag:s3] =	ssyncpa.u1 $0x1  }
0x4f: {  	s31 =	simm.s32 $0x1;
	[sflag:s2] =	ssyncpa.u1 $0x1  }
0x50: {  	[sflag:s31] =	ssyncpa.u1 $0x1  }
0x51: {  	p0 =	sne.s32 s1, $0x0;
	_ =	strace $0x9000004A  }
0x52: {  	s0 =	sadd.s32 @!p0 $0x100000, s0;
	[bflag:$0x2] =	sbarrier.arrive $0xFFFF  }
0x53: {  	[sflag:s0] =	ssyncadd.tile.s32 @!p0 $0x1;
	_ =	shalt  }
.Lfunc_end2:
_tile_overlayer_lowered:
.L_overlay_start_2:
0x54: {  	(tag) =	ssettag $0x2  }
0x55: {  	s0 =	rddreg [dreg:$0x0];
	s2 =	stileid.u32  }
0x56: {  	s1 =	rddreg [dreg:$0x1];
	p0 =	sne.s32 s2, $0x0  }
0x57: {  	s3 =	rddreg [dreg:$0x2];
	[bflag:$0x3] =	sbarrier.arrive $0xFFFF;
	s2 =	simm.s32 @!p0 $0x1C01  }
0x58: {  	[timem:s3], [sflag:s2] =	dma.local @!p0 [hbm:s0], s1  }
0x59: {  	s0 =	simm.s32 @!p0 $0x1  }
0x5a: {  	_ =	swait.ge @!p0 [sflag:s0], s1  }
0x5b: {  	s1 =	ssub.s32 @!p0 $0x0, s1;
	[sflag:s0] =	ssyncset.done @!p0 $0x0  }
0x5c: {  	[sflag:s0] =	ssyncadd.s32 @!p0 s1  }
0x5d: {  	[bflag:$0x3] =	sbarrier.arrive $0xFFFF  }
0x5e: {  	_ =	shalt  }

// kernel: gather_offload_async_start
scs
__scs_entry_jumppad:
0x0: {  	(pc) =	sbr.rel $0x88, $3  }
0x1: {  	(tag) =	ssettag $0x0;
	lr =	simm.s32 $0x1  }
0x2: {  	[smem:$0x3F9F] =	sst lr;
	_ =	strace $0xD0000000  }
0x3: {  	_ = 	snop  }
0x4: {  	_ = 	snop  }
0x5: {  	_ = 	snop  }
0x6: {  	_ = 	snop  }
0x7: {  	_ = 	snop  }
__scs_overlays_trampoline_lowered:
0x8: {  	[smem:$0x3FAE] =	sst s0  }
0x9: {  	[smem:$0x3FAF] =	sst s1  }
0xa: {  	[smem:$0x3FB0] =	sst s2  }
0xb: {  	[smem:$0x3FB1] =	sst s3  }
0xc: {  	[smem:$0x3FB2] =	sst s4  }
0xd: {  	[smem:$0x3FB3] =	sst s5  }
0xe: {  	[smem:$0x3FB4] =	sst s6  }
0xf: {  	[smem:$0x3FB5] =	sst s7  }
0x10: {  	[smem:$0x3FB6] =	sst s8  }
0x11: {  	[smem:$0x3FB7] =	sst s9;
	s0 =	simm.s32 @!p0 $0x0  }
0x12: {  	s1 =	sld [smem:$0x3F9D];
	s0 =	simm.s32 @p0 $0x1  }
0x13: {  	[smem:$0x3FB8] =	sst s0;
	s0 =	simm.s32 @!p1 $0x0  }
0x14: {  	s2 =	sld [smem:$0x3F9C];
	s0 =	simm.s32 @p1 $0x1  }
0x15: {  	[smem:$0x3FB9] =	sst s0;
	s0 =	simm.s32 @!p2 $0x0  }
0x16: {  	s3 =	sld [smem:$0x3FDB];
	s0 =	simm.s32 @p2 $0x1  }
0x17: {  	s4 =	simm.s32 $0x1BF5;
	[smem:$0x3FBB] =	sst s0  }
0x18: {  	s0 =	sld [smem:$0x3F9E];
	_ =	swait.ge [sflag:s4], $0x0  }
0x19: {  	s7 =	sld [smem:$0x3F9F]  }
0x1a: {  	s8 =	sadd.s32 $0xFFFFE003, lr  }
0x1b: {  	s9 =	sadd.s32 $0xFFFFFEF7, lr;
	s5 =	simm.s32 $0xFFFFFFFF;
	p2 =	slt.u32 s8, $0xFFFFF086  }
0x1c: {  	p1 =	slt.u32 s9, $0xF7A;
	s5 =	simm.s32 @!p2 $0x0  }
0x1d: {  	s5 =	simm.s32 @p1 $0x1;
	p0 =	seq.s32 s7, s2  }
0x1e: {  	s7 =	smul.u32 @!p0 $0xF7A, s2;
	p2 =	seq.s32 @!p0 s5, $0x0  }
0x1f: {  	s9 =	smul.u32 $0xF7A, s1;
	s8 =	simm.s32 @!p0 $0x1BF5;
	p2 =	por !p2, p0  }
0x20: {  	[sflag:s8] =	ssyncset.s32 @!p0 $0xFFFFF086;
	s6 =	sadd.s32 @!p0 s3, s7;
	s7 =	simm.s32 @!p0 $0x108  }
0x21: {  	s3 =	sadd.s32 s3, s9;
	s6 =	sadd.s32 @!p0 $0x88, s6;
	s7 =	simm.s32 @p2 $0x1082  }
0x22: {  	[simem:s7], [sflag:s8] =	dma.local @!p0 [hbm:s6], $0xF7A  }
0x23: {  	s9 =	sor.u32 $0xD0000000, s2;
	s6 =	simm.s32 $0x108;
	_ =	swait.ge @!p0 [sflag:s8], $0x0  }
0x24: {  	s3 =	sadd.s32 $0x88, s3;
	s6 =	simm.s32 @!p1 $0x1082;
	[sflag:s4] =	ssyncset.s32 $0xFFFFF086  }
0x25: {  	[simem:s6], [sflag:s4] =	dma.local [hbm:s3], $0xF7A  }
0x26: {  	[smem:$0x3F9F] =	sst s1;
	(tag) =	ssettag s2;
	_ =	strace s9  }
0x27: {  	s1 =	sld [smem:$0x3FAF]  }
0x28: {  	s2 =	sld [smem:$0x3FB0]  }
0x29: {  	s4 =	sld [smem:$0x3FB2]  }
0x2a: {  	p0 =	seq.s32 s5, $0x0;
	s5 =	sld [smem:$0x3FB3]  }
0x2b: {  	s6 =	sld [smem:$0x3FB4]  }
0x2c: {  	s7 =	sld [smem:$0x3FB5]  }
0x2d: {  	s3 =	simm.s32 $0x108;
	s8 =	sld [smem:$0x3FB6]  }
0x2e: {  	s3 =	simm.s32 @!p0 $0x1082;
	s9 =	sld [smem:$0x3FB7]  }
0x2f: {  	lr =	sadd.s32 s0, s3;
	s0 =	sld [smem:$0x3FAE]  }
0x30: {  	s3 =	sld [smem:$0x3FB1]  }
0x31: {  	[smem:$0x3FBA] =	sst s10  }
0x32: {  	s10 =	sld [smem:$0x3FB8];
	_ =	sdelay $0x3  }
0x33: {  	p0 =	seq.s32 s10, $0x1;
	s10 =	sld [smem:$0x3FBA];
	_ =	sdelay $0x3  }
0x34: {  	[smem:$0x3FBA] =	sst s10  }
0x35: {  	s10 =	sld [smem:$0x3FB9];
	_ =	sdelay $0x3  }
0x36: {  	p1 =	seq.s32 s10, $0x1;
	s10 =	sld [smem:$0x3FBA];
	_ =	sdelay $0x3  }
0x37: {  	[smem:$0x3FBA] =	sst s10  }
0x38: {  	s10 =	sld [smem:$0x3FBB]  }
0x39: {  	_ = 	snop;
	(pc) =	sbr.ind lr, $3  }
0x3a: {  	_ = 	snop  }
0x3b: {  	_ = 	snop  }
0x3c: {  	p2 =	seq.s32 s10, $0x1;
	s10 =	sld [smem:$0x3FBA]  }
0x3d: {  	_ =	shalt  }
0x3e: {  	_ =	shalt  }
0x3f: {  	_ =	shalt  }
0x40: {  	_ =	shalt  }
0x41: {  	_ =	shalt  }
0x42: {  	_ =	shalt  }
0x43: {  	_ =	shalt  }
0x44: {  	_ =	shalt  }
0x45: {  	_ =	shalt  }
0x46: {  	_ =	shalt  }
0x47: {  	_ =	shalt  }
0x48: {  	_ =	shalt  }
0x49: {  	_ =	shalt  }
0x4a: {  	_ =	shalt  }
0x4b: {  	_ =	shalt  }
0x4c: {  	_ =	shalt  }
0x4d: {  	_ =	shalt  }
0x4e: {  	_ =	shalt  }
0x4f: {  	_ =	shalt  }
0x50: {  	_ =	shalt  }
0x51: {  	_ =	shalt  }
0x52: {  	_ =	shalt  }
0x53: {  	_ =	shalt  }
0x54: {  	_ =	shalt  }
0x55: {  	_ =	shalt  }
0x56: {  	_ =	shalt  }
0x57: {  	_ =	shalt  }
0x58: {  	_ =	shalt  }
0x59: {  	_ =	shalt  }
0x5a: {  	_ =	shalt  }
0x5b: {  	_ =	shalt  }
0x5c: {  	_ =	shalt  }
0x5d: {  	_ =	shalt  }
0x5e: {  	_ =	shalt  }
0x5f: {  	_ =	shalt  }
0x60: {  	_ =	shalt  }
0x61: {  	_ =	shalt  }
0x62: {  	_ =	shalt  }
0x63: {  	_ =	shalt  }
0x64: {  	_ =	shalt  }
0x65: {  	_ =	shalt  }
0x66: {  	_ =	shalt  }
0x67: {  	_ =	shalt  }
0x68: {  	_ =	shalt  }
0x69: {  	_ =	shalt  }
0x6a: {  	_ =	shalt  }
0x6b: {  	_ =	shalt  }
0x6c: {  	_ =	shalt  }
0x6d: {  	_ =	shalt  }
0x6e: {  	_ =	shalt  }
0x6f: {  	_ =	shalt  }
0x70: {  	_ =	shalt  }
0x71: {  	_ =	shalt  }
0x72: {  	_ =	shalt  }
0x73: {  	_ =	shalt  }
0x74: {  	_ =	shalt  }
0x75: {  	_ =	shalt  }
0x76: {  	_ =	shalt  }
0x77: {  	_ =	shalt  }
0x78: {  	_ =	shalt  }
0x79: {  	_ =	shalt  }
0x7a: {  	_ =	shalt  }
0x7b: {  	_ =	shalt  }
0x7c: {  	_ =	shalt  }
0x7d: {  	_ =	shalt  }
0x7e: {  	_ =	shalt  }
0x7f: {  	_ =	shalt  }
0x80: {  	_ =	shalt  }
0x81: {  	_ =	shalt  }
0x82: {  	_ =	shalt  }
0x83: {  	_ =	shalt  }
0x84: {  	_ =	shalt  }
0x85: {  	_ =	shalt  }
0x86: {  	_ =	shalt  }
0x87: {  	_ =	shalt  }
.Lfunc_end0:
.L_simem_size_0:
called_computation_lowered:
.L_overlay_start_0:
0x88: {  	s2 =	sld [smem:$0x3FD9]  }
0x89: {  	s3 =	sld [smem:$0x3FFE];
	_ =	sdelay $0x1  }
0x8a: {  	s1 =	srdreg.scid  }
0x8b: {  	s0 =	sand.u32 $0x1, s1  }
0x8c: {  	s17 =	sshll.u32 s0, $0xA;
	s2 =	sadd.s32 s3, s2  }
0x8d: {  	s2 =	sadd.s32 s2, s17  }
0x8e: {  	[smem:$0x3FC6] =	sst s2  }
0x8f: {  	_ = 	snop  }
0x90: {  	s2 =	sld [smem:$0x3FC8];
	(tm) =	ssettm $0x1  }
0x91: {  	s18 =	sld [smem:$0x3FFB];
	_ =	sdelay $0x3  }
0x92: {  	_ =	strace s18  }
0x93: {  	s3 =	sld [smem:$0x3FFC];
	_ =	sdelay $0x3  }
0x94: {  	_ =	strace s3  }
0x95: {  	s3 =	sld [smem:$0x3FFD];
	_ =	sdelay $0x3  }
0x96: {  	_ =	strace s3  }
0x97: {  	_ =	strace $0x8FFFFFFF  }
0x98: {  	s19 =	sld [smem:$0x3FDB];
	_ =	sdelay $0x1  }
0x99: {  	s4 =	simm.s32 $_scs_section_size  }
0x9a: {  	s5 =	simm.s32 $_size__tile_overlayer_lowered;
	s6 =	simm.s32 $_tile_overlayer_lowered  }
0x9b: {  	s22 =	simm.s32 $0x1BFF;
	s21 =	sshll.u32 s6, $0x1;
	s3 =	sadd.s32 s4, s19  }
0x9c: {  	s7 =	simm.s32 $0x0;
	s20 =	sshll.u32 s5, $0x1;
	s5 =	sadd.s32 s21, s3  }
0x9d: {  	[timem:s7], [sflag:s22] =	dma.local [hbm:s5], s20  }
0x9e: {  	_ =	swait.ge [sflag:s22], s20  }
0x9f: {  	s4 =	ssub.s32 $0x0, s20;
	[sflag:s22] =	ssyncset.done $0x0  }
0xa0: {  	[sflag:s22] =	ssyncadd.s32 s4;
	_ =	sdelay $0x1  }
0xa1: {  	s23 =	simm.s32 $0x1B8B  }
0xa2: {  	_ =	swait.ge [sflag:s23], $0x1  }
0xa3: {  	[sflag:s23] =	ssyncset.done $0x0  }
0xa4: {  	s25 =	simm.s32 $0x1B8E;
	s24 =	sld [smem:$0x3FFE];
	[sflag:s23] =	ssyncadd.s32 $0xFFFFFFFF  }
0xa5: {  	s26 =	simm.s32 $execute0_lowered;
	[smem:$0x3FD2] =	sst s25  }
0xa6: {  	s5 =	sshll.u32 s26, $0x1;
	_ =	strace $0x80000046;
	[dreg:$0x1] =	wrdreg $0xFFFFFFFF  }
0xa7: {  	s28 =	simm.s32 $_size_execute0_lowered;
	s3 =	sadd.s32 s3, s5;
	[dreg:$0x0] =	wrdreg $0x0  }
0xa8: {  	s5 =	sshll.u32 s28, $0x1;
	[dreg:$0x2] =	wrdreg s3  }
0xa9: {  	[dreg:$0x3] =	wrdreg s5  }
0xaa: {  	[dreg:$0x4] =	wrdreg $0xC0  }
0xab: {  	_ =	task [dreg:s7], $0x5FFFF  }
0xac: {  	[dreg:$0x1] =	wrdreg $0xFFFFFFFF  }
0xad: {  	[dreg:$0x0] =	wrdreg $0x60  }
0xae: {  	[dreg:$0x2] =	wrdreg s2  }
0xaf: {  	[dreg:$0x3] =	wrdreg s24  }
0xb0: {  	[dreg:$0x4] =	wrdreg $0x9  }
0xb1: {  	_ =	task.clear_ibuf [dreg:s7], $0x5FFFF;
	_ =	strace $0x90000046  }
0xb2: {  	s29 =	simm.s32 $0x9;
	_ =	strace $0x80000048  }
0xb3: {  	_ =	swait.ge [sflag:s29], $0x1  }
0xb4: {  	[sflag:s29] =	ssyncadd.s32 $0xFFFFFFFF  }
0xb5: {  	_ =	strace $0x90000048  }
0xb6: {  	_ =	sfence  }
0xb7: {  	s30 =	sld [smem:$0x0];
	_ =	sdelay $0x2  }
0xb8: {  	s31 =	sshll.u32 s1, $0xD;
	s1 =	sshrl.u32 s1, $0x2  }
0xb9: {  	s3 =	sand.u32 $0x4000, s31;
	s1 =	sadd.s32 s1, s30  }
0xba: {  	s0 =	sor.u32 s3, s0;
	s1 =	sshll.u32 s1, $0x11  }
0xbb: {  	s0 =	sor.u32 s1, s0  }
0xbc: {  	s0 =	sadd.s32 $0x8F2B, s0  }
0xbd: {  	[sflag:s0] =	ssyncadd.remote.s32 $0x1  }
0xbe: {  	_ =	sfence.sel $0xFFFF  }
0xbf: {  	[dreg:$0x0] =	wrdreg $0xFFFFFFFF;
	(pc) =	sbr.abs _section_cstart, $3  }
0xc0: {  	[dreg:$0x1] =	wrdreg $0xFFFFFFFF  }
0xc1: {  	_ =	task.clear_ibuf [dreg:s7], $0x2FFFF;
	_ =	strace $0x9FFFFFFF  }
0xc2: {  	(tm) =	ssettm $0x7FFFFFFF  }
0xc3: {  	_ =	shalt  }
tec
execute0_lowered:
.L_overlay_start_1:
0x0: {  	(tag) =	ssettag $0x1  }
0x1: {  	s1 =	srdreg.scid;
	s2 =	rddreg [dreg:$0x0]  }
0x2: {  	s0 =	stileid.u32;
	s3 =	rddreg [dreg:$0x1]  }
0x3: {  	s6 =	simm.s32 $0x1;
	s9 =	simm.s32 $0x1;
	s1 =	sshll.u32 s1, $0x6  }
0x4: {  	s10 =	simm.s32 $0x3;
	s4 =	sshll.u32 s0, $0x7;
	s5 =	sand.u32 $0x40, s1  }
0x5: {  	s13 =	simm.s32 $0x0;
	s12 =	simm.s32 $0x0;
	s4 =	sor.u32 s4, s5  }
0x6: {  	s1 =	rddreg [dreg:$0x2];
	_ =	strace $0x80000047;
	s8 =	ssub.s32 $0x1000, s4  }
.Ltmp0:
0x7: {  	s5 =	sadd.s32 $0x200, s3;
	s7 =	sand.u32 $0x7C0, s8;
	(pc) =	sbr.rel .LBB2_1-.Ltmp0, $4  }
0x8: {  	[sflag:s6] =	ssyncpa.u1 $0x0;
	s11 =	smov.u32 s4;
	p0 =	sne.s32 s7, $0x0  }
0x9: {  	s8 =	sshrl.u32 s8, $0xB;
	s7 =	simm.s32 $0x2;
	s9 =	simm.s32 @!p0 $0x0  }
0xa: {  	[sflag:s7] =	ssyncpa.u1 $0x0;
	p0 =	por $0x0, $0x0;
	s8 =	sadd.s32 s9, s8  }
0xb: {  	vm0 =	vmmov $0xffff;
	[sflag:s10] =	ssyncpa.u1 $0x0;
	s10 =	simm.s32 $0x0;
	s9 =	sadd.s32 $0x1, s8  }
.LBB2_4:
0xc: {  	v2 =	vnsel vm1, $0x0, v2  }
0xd: {  	vm1 =	vgt.s32 v0, $0x0;
	v2 =	vmin.u32 v2, $0xFFF  }
0xe: {  	v0 =	vnsel vm1, $0x0, v0  }
0xf: {  	v0 =	vmin.u32 v0, $0xFFF  }
0x10: {  	[tilespmem:s15], [sflag:$0x1] =	stream.indirect_vreg.gather [hbm4b:s2+s10], $0x1, v1, vm0, $0x4038;
	[tilespmem:$0x100] =	vst v63  }
0x11: {  	(ifvalue) =	ssetifvalue $0x7FFFFFFF  }
0x12: {  	[tilespmem:s16], [sflag:$0x1] =	stream.indirect_vreg.gather [hbm4b:s2+s10], $0x1, v2, vm0, $0x4038;
	[tilespmem:$0x100] =	vst v63  }
0x13: {  	s29 =	sadd.s32 $0x10, s16;
	(ifvalue) =	ssetifvalue $0x7FFFFFFF  }
0x14: {  	[tilespmem:s29], [sflag:$0x1] =	stream.indirect_vreg.gather [hbm4b:s2+s10], $0x1, v0, vm0, $0x4038;
	[tilespmem:$0x100] =	vst v63  }
0x15: {  	_ =	swait.ge [sflag:s6], $0x40  }
0x16: {  	s30 =	sshrl.u32 s13, $0x3;
	[sflag:s6] =	ssyncset.done $0x0  }
0x17: {  	s31 =	sand.u32 $0x7, s13;
	s15 =	sadd.s32 s5, s30;
	[sflag:s6] =	ssyncadd.s32 $0xFFFFFFC0  }
0x18: {  	[hbm4b:s15+s31] =	stream.linear.scatter [tilespmem:s14], [sflag:$0x3], $0x40, $0x38;
	[tilespmem:$0x100] =	vst v63  }
.LBB2_5:
0x19: {  	s15 =	sadd.s32 $0x800, s11  }
0x1a: {  	p2 =	sgt.s32 s15, $0xFFF  }
0x1b: {  	s15 =	smov.u32 @p2 s4;
	p2 =	sne.s32 s12, s9  }
.Ltmp1:
0x1c: {  	p1 =	slt.u32 s12, $0x2;
	(pc) =	sbr.rel @!p2 .LBB2_6-.Ltmp1, $4  }
0x1d: {  	s14 =	simm.s32 @!p1 $0x3  }
0x1e: {  	s16 =	sadd.s32 $0x1, s12;
	_ =	swait.ge @!p1 [sflag:s14], $0x40  }
0x1f: {  	s13 =	smov.u32 s11;
	p0 =	por !p0, !p0;
	[sflag:s14] =	ssyncset.done @!p1 $0x0  }
0x20: {  	s12 =	smov.u32 s16;
	s11 =	smov.u32 s15;
	[sflag:s14] =	ssyncadd.s32 @!p1 $0xFFFFFFC0  }
.LBB2_1:
0x21: {  	p1 =	sge.u32 s12, s8  }
0x22: {  	s14 =	sxor.u32 @!p1 $0xFFFFFFFF, s12  }
0x23: {  	s31 =	sadd.s32 $0xFFFFFFFF, s12;
	s15 =	sshrl.u32 @!p1 s11, $0x3;
	s14 =	sshll.u32 @!p1 s14, $0x6  }
0x24: {  	s16 =	sand.u32 @!p1 $0x7, s11;
	s15 =	sadd.s32 @!p1 s3, s15;
	s14 =	sand.u32 @!p1 $0x40, s14  }
0x25: {  	[tilespmem:s14], [sflag:$0x2] =	stream.linear.gather @!p1 [hbm4b:s15+s16], $0x40, $0x38;
	[tilespmem:$0x100] =	vst v63  }
0x26: {  	p1 =	sge.u32 s31, s8  }
.Ltmp2:
0x27: {  	_ = 	snop;
	(pc) =	sbr.rel @p1 .LBB2_5-.Ltmp2, $1  }
0x28: {  	_ =	sdelay $0x3  }
0x29: {  	s14 =	simm.s32 $0x1  }
0x2a: {  	_ =	swait.ge [sflag:s7], $0x40;
	s14 =	simm.s32 @!p0 $0x0  }
0x2b: {  	[sflag:s7] =	ssyncset.done $0x0;
	s14 =	sshll.u32 s14, $0x6  }
0x2c: {  	[sflag:s7] =	ssyncadd.s32 $0xFFFFFFC0;
	(ifvalue) =	ssetifvalue $0x7FFFFFFF;
	v0 =	vld.msk [tilespmem:s14+$0x0 ss:$0x1], $0xffff;
	_ =	sdelay $0x4  }
0x2d: {  	s15 =	sadd.s32 $0x10, s14;
	vm1 =	vgt.s32 v0, $0x0  }
0x2e: {  	v2 =	vld.msk [tilespmem:s15+$0x0 ss:$0x1], $0xffff;
	v1 =	vnsel vm1, $0x0, v0  }
0x2f: {  	v1 =	vmin.u32 v1, $0xFFF;
	_ =	sdelay $0x1  }
0x30: {  	s16 =	sshll.u32 s12, $0x6;
	s18 =	simm.s32 $0x20  }
0x31: {  	s16 =	sand.u32 $0x40, s16;
	s17 =	sadd.s32 $0x10, s15;
	s15 =	sor.u32 $0x80, s14  }
0x32: {  	s14 =	sor.u32 $0x80, s16;
	s16 =	sadd.s32 $0x10, s15;
	v0 =	vld.msk [tilespmem:s17+$0x0 ss:$0x1], $0xffff;
	vm1 =	vgt.s32 v2, $0x0;
	(ifvalue) =	ssetifvalue $0x7FFFFFFF  }
.LBB2_3:
0x33: {  	[tilespmem:s15], [sflag:$0x1] =	stream.indirect_vreg.gather [hbm4b:s2+s10], $0x1, v1, vm0, $0x4038;
	[tilespmem:$0x100] =	vst v63  }
0x34: {  	s18 =	sadd.s32 $0x10, s18  }
0x35: {  	v2 =	vnsel vm1, $0x0, v2;
	p1 =	slt.u32 s18, $0x30  }
.Ltmp3:
0x36: {  	s15 =	smov.u32 s16;
	v1 =	vmin.u32 v2, $0xFFF;
	(pc) =	sbr.rel @p1 .LBB2_3-.Ltmp3, $3  }
0x37: {  	_ =	sdelay $0x1  }
0x38: {  	s17 =	sadd.s32 $0x10, s17  }
0x39: {  	vm1 =	vgt.s32 v0, $0x0;
	s16 =	sadd.s32 $0x10, s16;
	v2 =	vmov v0;
	(ifvalue) =	ssetifvalue $0x7FFFFFFF;
	v0 =	vld.msk [tilespmem:s17+$0x0 ss:$0x1], $0xffff  }
.Ltmp4:
0x3a: {  	_ = 	snop;
	(pc) =	sbr.rel .LBB2_4-.Ltmp4, $1  }
0x3b: {  	_ =	sdelay $0x3  }
.LBB2_6:
0x3c: {  	_ =	sfence.sel $0x180000  }
0x3d: {  	s2 =	simm.s32 $0x2;
	[bflag:$0x0] =	sbarrier.arrive $0xFFFF  }
0x3e: {  	s30 =	simm.s32 $0x3;
	[sflag:s2] =	ssyncpa.u1 $0x1  }
0x3f: {  	s31 =	simm.s32 $0x1;
	[sflag:s30] =	ssyncpa.u1 $0x1  }
0x40: {  	[sflag:s31] =	ssyncpa.u1 $0x1  }
0x41: {  	p0 =	sne.s32 s0, $0x0;
	_ =	strace $0x90000047  }
0x42: {  	s0 =	sadd.s32 @!p0 $0x100000, s1;
	[bflag:$0x2] =	sbarrier.arrive $0xFFFF  }
0x43: {  	[sflag:s0] =	ssyncadd.tile.s32 @!p0 $0x1;
	_ =	shalt  }
.Lfunc_end2:
_tile_overlayer_lowered:
.L_overlay_start_2:
0x44: {  	(tag) =	ssettag $0x2  }
0x45: {  	s0 =	rddreg [dreg:$0x0];
	s2 =	stileid.u32  }
0x46: {  	s1 =	rddreg [dreg:$0x1];
	p0 =	sne.s32 s2, $0x0  }
0x47: {  	s3 =	rddreg [dreg:$0x2];
	[bflag:$0x3] =	sbarrier.arrive $0xFFFF;
	s2 =	simm.s32 @!p0 $0x1C01  }
0x48: {  	[timem:s3], [sflag:s2] =	dma.local @!p0 [hbm:s0], s1  }
0x49: {  	s0 =	simm.s32 @!p0 $0x1  }
0x4a: {  	_ =	swait.ge @!p0 [sflag:s0], s1  }
0x4b: {  	s1 =	ssub.s32 @!p0 $0x0, s1;
	[sflag:s0] =	ssyncset.done @!p0 $0x0  }
0x4c: {  	[sflag:s0] =	ssyncadd.s32 @!p0 s1  }
0x4d: {  	[bflag:$0x3] =	sbarrier.arrive $0xFFFF  }
0x4e: {  	_ =	shalt  }

</sc_bundles>
